<compile_context>
chip_gen: v7x
topology: tpu7x:2x2x1
jax: 0.10.2.dev20260603
libtpu: 0.0.44.dev20260713+nightly
codegen_flags: <defaults>
</compile_context>

<pallas_src>
import functools

import jax
import jax.numpy as jnp
from jax import lax
from jax.experimental import pallas as pl
from jax.experimental.pallas import tpu as pltpu
from jax.experimental.pallas import tpu_sc as plsc

_NC = 2
_NS = 16
_NW = _NC * _NS
_CH = 128





def _transform_body(x_ref, w_ref, b_ref, out_ref):
    out_ref[0] = (
        jnp.dot(x_ref[...], w_ref[0], preferred_element_type=jnp.float32) + b_ref[0]
    )


def _rel_transform(x, W_rel, b_rel, nb):
    N, D = x.shape
    R = W_rel.shape[0]
    return pl.pallas_call(
        _transform_body,
        grid=(N // nb, R),
        in_specs=[
            pl.BlockSpec((nb, D), lambda i, r: (i, 0)),
            pl.BlockSpec((1, D, D), lambda i, r: (r, 0, 0)),
            pl.BlockSpec((1, 1, D), lambda i, r: (r, 0, 0)),
        ],
        out_specs=pl.BlockSpec((1, nb, D), lambda i, r: (r, i, 0)),
        out_shape=jax.ShapeDtypeStruct((R, N, D), jnp.float32),
    )(x, W_rel, b_rel.reshape(R, 1, D))



def _make_sc_agg(RN, D, K, NP):
    stripe = NP // _NS
    mesh = plsc.VectorSubcoreMesh(
        core_axis_name="c", subcore_axis_name="s", num_cores=_NC, num_subcores=_NS)

    @functools.partial(
        pl.kernel,
        out_type=[
            jax.ShapeDtypeStruct((_NC, NP, D), jnp.float32),
            jax.ShapeDtypeStruct((_NW, NP), jnp.float32),
        ],
        mesh=mesh,
        compiler_params=pltpu.CompilerParams(needs_layout_passes=False),
        scratch_types=[
            pltpu.VMEM((_CH,), jnp.int32),
            pltpu.VMEM((_CH,), jnp.int32),
            pltpu.VMEM((_CH,), jnp.int32),
            pltpu.VMEM((_CH, D), jnp.float32),
            pltpu.VMEM((NP,), jnp.float32),
            pltpu.VMEM_SHARED((NP, D), jnp.float32),
            pltpu.SemaphoreType.DMA,
        ],
    )
    def sc_agg(table, pkidx, zrows, zdeg, accp, degp,
               pk_c, src_c, dst_c, rows_v, deg_v, acc_s, sem):
        c = lax.axis_index("c")
        s = lax.axis_index("s")
        wid = s * _NC + c
        pltpu.sync_copy(zdeg, deg_v)
        row0 = s * stripe
        for z in range(stripe // _CH):
            pltpu.sync_copy(zrows, acc_s.at[pl.ds(row0 + z * _CH, _CH)])
        plsc.subcore_barrier()
        ones16 = jnp.ones((16,), jnp.float32)

        def body(k, carry):
            pltpu.sync_copy(pkidx.at[wid, k], pk_c)
            for j in range(_CH // 16):
                v = pk_c[pl.ds(j * 16, 16)]
                src_c[pl.ds(j * 16, 16)] = lax.shift_right_logical(v, 14)
                dstv = lax.bitwise_and(v, 16383)
                dst_c[pl.ds(j * 16, 16)] = dstv
                plsc.addupdate_scatter(deg_v, [dstv], ones16)
            pltpu.async_copy(table.at[src_c], rows_v, sem).wait()
            pltpu.sync_copy(rows_v, acc_s.at[dst_c], add=True)
            return carry

        lax.fori_loop(0, K, body, 0)
        plsc.subcore_barrier()
        pltpu.sync_copy(acc_s.at[pl.ds(row0, stripe)], accp.at[c, pl.ds(row0, stripe)])
        pltpu.sync_copy(deg_v, degp.at[wid])

    return sc_agg



def _combine_body(T, accp_ref, deg_ref, x_ref, nt_ref, ws_ref, bs_ref, out_ref):
    nb = out_ref.shape[0]
    rows = nb // 128
    acc = accp_ref[0] + accp_ref[1]
    degm = jnp.sum(deg_ref[...], axis=0)
    ir = lax.broadcasted_iota(jnp.int32, (nb, rows), 0)
    ic = lax.broadcasted_iota(jnp.int32, (nb, rows), 1)
    P = (ir // 128 == ic).astype(jnp.float32)
    C = jnp.dot(P, degm, preferred_element_type=jnp.float32)
    jr = lax.broadcasted_iota(jnp.int32, (nb, 128), 0)
    jc = lax.broadcasted_iota(jnp.int32, (nb, 128), 1)
    deg_n = jnp.sum(jnp.where(jr % 128 == jc, C, 0.0), axis=1, keepdims=True)
    h = acc / jnp.maximum(deg_n, 1.0)
    xb = x_ref[...]
    nt = nt_ref[0, 0, :].reshape(nb, 1)
    for t in range(T):
        ht = jnp.dot(xb, ws_ref[t], preferred_element_type=jnp.float32) + bs_ref[t]
        h = h + jnp.where(nt == t, 1.0, 0.0) * ht
    out_ref[...] = jnp.where(h > 0, h, jnp.exp(h) - 1.0)


def _combine(accp, deg_stack, x_pad, nt_pad, W_self, b_self, NP, nb):
    T, D, _ = W_self.shape
    rows = nb // 128
    return pl.pallas_call(
        functools.partial(_combine_body, T),
        grid=(NP // nb,),
        in_specs=[
            pl.BlockSpec((_NC, nb, D), lambda i: (0, i, 0)),
            pl.BlockSpec((_NW, rows, 128), lambda i: (0, i, 0)),
            pl.BlockSpec((nb, D), lambda i: (i, 0)),
            pl.BlockSpec((1, 1, nb), lambda i: (i, 0, 0)),
            pl.BlockSpec((T, D, D), lambda i: (0, 0, 0)),
            pl.BlockSpec((T, 1, D), lambda i: (0, 0, 0)),
        ],
        out_specs=pl.BlockSpec((nb, D), lambda i: (i, 0)),
        out_shape=jax.ShapeDtypeStruct((NP, D), jnp.float32),
    )(accp, deg_stack, x_pad, nt_pad, W_self, b_self.reshape(T, 1, D))



def kernel(x, W_rel, b_rel, W_self, b_self, edge_index, edge_type, node_type):
    N, D = x.shape
    R = W_rel.shape[0]
    T = W_self.shape[0]
    E = edge_index.shape[1]

    NBC = 2048
    K = -(-E // (_NW * _CH))
    EP = _NW * K * _CH
    NP = (N // NBC + 1) * NBC

    src = edge_index[0]
    dst = edge_index[1]
    flat_src = edge_type * N + src
    pad = EP - E
    flat_src = jnp.pad(flat_src, (0, pad))
    dst_p = jnp.pad(dst, (0, pad), constant_values=NP - 1)
    packed = (flat_src * 16384 + dst_p).reshape(_NW, K, _CH)

    table = _rel_transform(x, W_rel, b_rel, 2000).reshape(R * N, D)

    zrows = jnp.zeros((_CH, D), jnp.float32)
    zdeg = jnp.zeros((NP,), jnp.float32)
    accp, degp = _make_sc_agg(R * N, D, K, NP)(table, packed, zrows, zdeg)

    deg_stack = degp.reshape(_NW, NP // 128, 128)
    x_pad = jnp.pad(x, ((0, NP - N), (0, 0)))
    nt_pad = jnp.pad(node_type, (0, NP - N)).reshape(NP // NBC, 1, NBC)

    out = _combine(accp, deg_stack, x_pad, nt_pad, W_self, b_self, NP, NBC)
    return out[:N]

# --- scband reference (transcript-rebuilt; emitter-appended) ---
"""Pipeline reference for scband-relational-message-passing-framework-60894046323232 (READ-ONLY COPY).

The authoritative reference and input builder live on the scoring server;
editing this copy changes nothing except your own understanding.
"""

import jax, jax.numpy as jnp
import numpy as np

N = 10000   # n_nodes
E = 320000  # n_edges
D = 128     # node state / embedding dim
R = 8       # num_rels
T = 4       # num_nodes_types


def setup_inputs(seed: int = 0) -> dict:
    key = jax.random.key(seed)
    ks = jax.random.split(key, 8)
    x = jax.random.normal(ks[0], (N, D), dtype=jnp.float32)
    edge_index = jax.random.randint(ks[1], (2, E), 0, N, dtype=jnp.int32)
    edge_type = jax.random.randint(ks[2], (E,), 0, R, dtype=jnp.int32)
    node_type = jax.random.randint(ks[3], (N,), 0, T, dtype=jnp.int32)
    # learned parameters: per-relation message weights (full bases, rel_num_bases=-1)
    # and per-node-type aggregation/self weights (nodes_types_num_bases=-1)
    W_rel = jax.random.normal(ks[4], (R, D, D), dtype=jnp.float32) * (1.0 / np.sqrt(D))
    b_rel = jnp.zeros((R, D), dtype=jnp.float32)
    W_self = jax.random.normal(ks[5], (T, D, D), dtype=jnp.float32) * (1.0 / np.sqrt(D))
    b_self = jnp.zeros((T, D), dtype=jnp.float32)
    return {
        'x': x,
        'W_rel': W_rel,
        'b_rel': b_rel,
        'W_self': W_self,
        'b_self': b_self,
        'edge_index': edge_index,
        'edge_type': edge_type,
        'node_type': node_type,
    }


def reference(x, W_rel, b_rel, W_self, b_self, edge_index, edge_type, node_type):
    # Relational message passing (RGCN-style, first layer: input = node state only):
    #  1) Message module: relation-specific linear transform of the source node state.
    #  2) Aggregation module: degree-normalized scatter-add over destination nodes,
    #     plus node-type-specific self transform, ELU activation.
    src = edge_index[0]
    dst = edge_index[1]
    # transform all node states under every relation basis, then gather per edge
    transformed = jnp.einsum('nd,rdf->rnf', x, W_rel) + b_rel[:, None, :]  # [R, N, D]
    msg = transformed[edge_type, src]  # [E, D]  (gather: SparseCore-friendly)
    # scatter-add aggregation by destination node
    agg = jax.ops.segment_sum(msg, dst, num_segments=N)  # [N, D]
    # norm=True -> mean over in-degree
    deg = jax.ops.segment_sum(jnp.ones((E,), dtype=jnp.float32), dst, num_segments=N)
    agg = agg / jnp.clip(deg, 1.0)[:, None]
    # node-type-specific self/update transform
    self_t = jnp.einsum('nd,tdf->tnf', x, W_self) + b_self[:, None, :]  # [T, N, D]
    h_self = self_t[node_type, jnp.arange(N)]  # [N, D]
    out = jax.nn.elu(agg + h_self)
    return out

if __name__ == "__main__":
    import jax
    _d = setup_inputs()
    print(jax.jit(kernel)(*tuple(_d.values())))

</pallas_src>

<mosaic_0001>
#map = affine_map<(d0, d1) -> (0, 0)>
#map1 = affine_map<(d0, d1) -> (0, 0, 0)>
#map2 = affine_map<(d0, d1) -> (0)>
module attributes {stable_mosaic.version = 14 : i64} {
  func.func @sc_agg(%arg0: i32, %arg1: i32, %arg2: memref<80000x128xf32, #tpu.memory_space<hbm>>, %arg3: memref<32x79x128xi32, #tpu.memory_space<hbm>>, %arg4: memref<128x128xf32, #tpu.memory_space<hbm>>, %arg5: memref<10240xf32, #tpu.memory_space<hbm>>, %arg6: memref<2x10240x128xf32, #tpu.memory_space<hbm>>, %arg7: memref<32x10240xf32, #tpu.memory_space<hbm>>, %arg8: memref<128xi32, #tpu.memory_space<vmem>>, %arg9: memref<128xi32, #tpu.memory_space<vmem>>, %arg10: memref<128xi32, #tpu.memory_space<vmem>>, %arg11: memref<128x128xf32, #tpu.memory_space<vmem>>, %arg12: memref<10240xf32, #tpu.memory_space<vmem>>, %arg13: memref<10240x128xf32, #tpu.memory_space<vmem_shared>>, %arg14: memref<!tpu.dma_semaphore, #tpu.memory_space<semaphore_mem>>) attributes {dimension_semantics = [#tpu.dimension_semantics<core_parallel>, #tpu.dimension_semantics<subcore_parallel>], iteration_bounds = array<i64: 2, 16>, scalar_prefetch = 0 : i64, scratch_operands = 7 : i64, tpu.core_type = #tpu.core_type<sc_vector_subcore>, window_params = [{transform_indices = #map}, {transform_indices = #map1}, {transform_indices = #map}, {transform_indices = #map2}, {transform_indices = #map1}, {transform_indices = #map}]} {
    %mul3A = arith.constant 2 : i32
    %mul3A_0 = arith.muli %arg1, %mul3A : i32
    %add3A = arith.addi %mul3A_0, %arg0 : i32
    "tpu.region"() ({
      %run_scoped3A = tpu.sem_alloc : memref<!tpu.dma_semaphore, #tpu.memory_space<semaphore_mem>>
      tpu.enqueue_dma source(%arg5 : memref<10240xf32, #tpu.memory_space<hbm>>) target(%arg12 : memref<10240xf32, #tpu.memory_space<vmem>>) target_semaphore(%run_scoped3A : memref<!tpu.dma_semaphore, #tpu.memory_space<semaphore_mem>>)
      tpu.wait_dma2 semaphore(%run_scoped3A : memref<!tpu.dma_semaphore, #tpu.memory_space<semaphore_mem>>) src(%arg5 : memref<10240xf32, #tpu.memory_space<hbm>>) dst(%arg12 : memref<10240xf32, #tpu.memory_space<vmem>>)
      tpu.yield
    }) : () -> ()
    %mul3A_1 = arith.constant 640 : i32
    %mul3A_2 = arith.muli %arg1, %mul3A_1 : i32
    %add3A_3 = arith.constant 0 : i32
    %add3A_4 = arith.addi %mul3A_2, %add3A_3 : i32
    "tpu.region"() ({
      %run_scoped3A = tpu.sem_alloc : memref<!tpu.dma_semaphore, #tpu.memory_space<semaphore_mem>>
      %dma_start3A = arith.constant 0 : i32
      %dma_start3A_20 = tpu.memref_slice %arg13[%add3A_4, %dma_start3A] : memref<10240x128xf32, #tpu.memory_space<vmem_shared>> -> memref<128x128xf32, #tpu.memory_space<vmem_shared>>
      tpu.enqueue_dma source(%arg4 : memref<128x128xf32, #tpu.memory_space<hbm>>) target(%dma_start3A_20 : memref<128x128xf32, #tpu.memory_space<vmem_shared>>) target_semaphore(%run_scoped3A : memref<!tpu.dma_semaphore, #tpu.memory_space<semaphore_mem>>)
      %dma_wait3A = arith.constant 0 : i32
      %dma_wait3A_21 = tpu.memref_slice %arg13[%add3A_4, %dma_wait3A] : memref<10240x128xf32, #tpu.memory_space<vmem_shared>> -> memref<128x128xf32, #tpu.memory_space<vmem_shared>>
      tpu.wait_dma2 semaphore(%run_scoped3A : memref<!tpu.dma_semaphore, #tpu.memory_space<semaphore_mem>>) src(%arg4 : memref<128x128xf32, #tpu.memory_space<hbm>>) dst(%dma_wait3A_21 : memref<128x128xf32, #tpu.memory_space<vmem_shared>>)
      tpu.yield
    }) : () -> ()
    %add3A_5 = arith.constant 128 : i32
    %add3A_6 = arith.addi %mul3A_2, %add3A_5 : i32
    "tpu.region"() ({
      %run_scoped3A = tpu.sem_alloc : memref<!tpu.dma_semaphore, #tpu.memory_space<semaphore_mem>>
      %dma_start3A = arith.constant 0 : i32
      %dma_start3A_20 = tpu.memref_slice %arg13[%add3A_6, %dma_start3A] : memref<10240x128xf32, #tpu.memory_space<vmem_shared>> -> memref<128x128xf32, #tpu.memory_space<vmem_shared>>
      tpu.enqueue_dma source(%arg4 : memref<128x128xf32, #tpu.memory_space<hbm>>) target(%dma_start3A_20 : memref<128x128xf32, #tpu.memory_space<vmem_shared>>) target_semaphore(%run_scoped3A : memref<!tpu.dma_semaphore, #tpu.memory_space<semaphore_mem>>)
      %dma_wait3A = arith.constant 0 : i32
      %dma_wait3A_21 = tpu.memref_slice %arg13[%add3A_6, %dma_wait3A] : memref<10240x128xf32, #tpu.memory_space<vmem_shared>> -> memref<128x128xf32, #tpu.memory_space<vmem_shared>>
      tpu.wait_dma2 semaphore(%run_scoped3A : memref<!tpu.dma_semaphore, #tpu.memory_space<semaphore_mem>>) src(%arg4 : memref<128x128xf32, #tpu.memory_space<hbm>>) dst(%dma_wait3A_21 : memref<128x128xf32, #tpu.memory_space<vmem_shared>>)
      tpu.yield
    }) : () -> ()
    %add3A_7 = arith.constant 256 : i32
    %add3A_8 = arith.addi %mul3A_2, %add3A_7 : i32
    "tpu.region"() ({
      %run_scoped3A = tpu.sem_alloc : memref<!tpu.dma_semaphore, #tpu.memory_space<semaphore_mem>>
      %dma_start3A = arith.constant 0 : i32
      %dma_start3A_20 = tpu.memref_slice %arg13[%add3A_8, %dma_start3A] : memref<10240x128xf32, #tpu.memory_space<vmem_shared>> -> memref<128x128xf32, #tpu.memory_space<vmem_shared>>
      tpu.enqueue_dma source(%arg4 : memref<128x128xf32, #tpu.memory_space<hbm>>) target(%dma_start3A_20 : memref<128x128xf32, #tpu.memory_space<vmem_shared>>) target_semaphore(%run_scoped3A : memref<!tpu.dma_semaphore, #tpu.memory_space<semaphore_mem>>)
      %dma_wait3A = arith.constant 0 : i32
      %dma_wait3A_21 = tpu.memref_slice %arg13[%add3A_8, %dma_wait3A] : memref<10240x128xf32, #tpu.memory_space<vmem_shared>> -> memref<128x128xf32, #tpu.memory_space<vmem_shared>>
      tpu.wait_dma2 semaphore(%run_scoped3A : memref<!tpu.dma_semaphore, #tpu.memory_space<semaphore_mem>>) src(%arg4 : memref<128x128xf32, #tpu.memory_space<hbm>>) dst(%dma_wait3A_21 : memref<128x128xf32, #tpu.memory_space<vmem_shared>>)
      tpu.yield
    }) : () -> ()
    %add3A_9 = arith.constant 384 : i32
    %add3A_10 = arith.addi %mul3A_2, %add3A_9 : i32
    "tpu.region"() ({
      %run_scoped3A = tpu.sem_alloc : memref<!tpu.dma_semaphore, #tpu.memory_space<semaphore_mem>>
      %dma_start3A = arith.constant 0 : i32
      %dma_start3A_20 = tpu.memref_slice %arg13[%add3A_10, %dma_start3A] : memref<10240x128xf32, #tpu.memory_space<vmem_shared>> -> memref<128x128xf32, #tpu.memory_space<vmem_shared>>
      tpu.enqueue_dma source(%arg4 : memref<128x128xf32, #tpu.memory_space<hbm>>) target(%dma_start3A_20 : memref<128x128xf32, #tpu.memory_space<vmem_shared>>) target_semaphore(%run_scoped3A : memref<!tpu.dma_semaphore, #tpu.memory_space<semaphore_mem>>)
      %dma_wait3A = arith.constant 0 : i32
      %dma_wait3A_21 = tpu.memref_slice %arg13[%add3A_10, %dma_wait3A] : memref<10240x128xf32, #tpu.memory_space<vmem_shared>> -> memref<128x128xf32, #tpu.memory_space<vmem_shared>>
      tpu.wait_dma2 semaphore(%run_scoped3A : memref<!tpu.dma_semaphore, #tpu.memory_space<semaphore_mem>>) src(%arg4 : memref<128x128xf32, #tpu.memory_space<hbm>>) dst(%dma_wait3A_21 : memref<128x128xf32, #tpu.memory_space<vmem_shared>>)
      tpu.yield
    }) : () -> ()
    %add3A_11 = arith.constant 512 : i32
    %add3A_12 = arith.addi %mul3A_2, %add3A_11 : i32
    "tpu.region"() ({
      %run_scoped3A = tpu.sem_alloc : memref<!tpu.dma_semaphore, #tpu.memory_space<semaphore_mem>>
      %dma_start3A = arith.constant 0 : i32
      %dma_start3A_20 = tpu.memref_slice %arg13[%add3A_12, %dma_start3A] : memref<10240x128xf32, #tpu.memory_space<vmem_shared>> -> memref<128x128xf32, #tpu.memory_space<vmem_shared>>
      tpu.enqueue_dma source(%arg4 : memref<128x128xf32, #tpu.memory_space<hbm>>) target(%dma_start3A_20 : memref<128x128xf32, #tpu.memory_space<vmem_shared>>) target_semaphore(%run_scoped3A : memref<!tpu.dma_semaphore, #tpu.memory_space<semaphore_mem>>)
      %dma_wait3A = arith.constant 0 : i32
      %dma_wait3A_21 = tpu.memref_slice %arg13[%add3A_12, %dma_wait3A] : memref<10240x128xf32, #tpu.memory_space<vmem_shared>> -> memref<128x128xf32, #tpu.memory_space<vmem_shared>>
      tpu.wait_dma2 semaphore(%run_scoped3A : memref<!tpu.dma_semaphore, #tpu.memory_space<semaphore_mem>>) src(%arg4 : memref<128x128xf32, #tpu.memory_space<hbm>>) dst(%dma_wait3A_21 : memref<128x128xf32, #tpu.memory_space<vmem_shared>>)
      tpu.yield
    }) : () -> ()
    %barrier3A = arith.constant 0 : index
    tpu.barrier barrier_id(%barrier3A)
    %broadcast_in_dim3A = arith.constant 1.000000e+00 : f32
    %broadcast_in_dim3A_13 = vector.broadcast %broadcast_in_dim3A : f32 to vector<16xf32>
    %scan3A = arith.constant 0 : i32
    %scan3A_14 = arith.constant 0 : i32
    %scan3A_15 = arith.constant 79 : i32
    %scan3A_16 = arith.addi %scan3A_14, %scan3A_15 : i32
    %scan3A_17 = arith.constant 1 : i32
    scf.for %scan3A_20 = %scan3A_14 to %scan3A_16 step %scan3A_17  : i32 {
      "tpu.region"() ({
        %run_scoped3A = tpu.sem_alloc : memref<!tpu.dma_semaphore, #tpu.memory_space<semaphore_mem>>
        %dma_start3A_117 = arith.constant 0 : i32
        %dma_start3A_118 = tpu.memref_slice %arg3[%add3A, %scan3A_20, %dma_start3A_117] : memref<32x79x128xi32, #tpu.memory_space<hbm>> -> memref<1x1x128xi32, #tpu.memory_space<hbm>>
        %dma_start3A_119 = tpu.memref_squeeze %dma_start3A_118 : memref<1x1x128xi32, #tpu.memory_space<hbm>> -> memref<128xi32, #tpu.memory_space<hbm>>
        %dma_start3A_120 = arith.constant 0 : i32
        %dma_start3A_121 = tpu.memref_slice %arg3[%add3A, %scan3A_20, %dma_start3A_120] : memref<32x79x128xi32, #tpu.memory_space<hbm>> -> memref<1x1x128xi32, #tpu.memory_space<hbm>>
        %dma_start3A_122 = tpu.memref_squeeze %dma_start3A_121 : memref<1x1x128xi32, #tpu.memory_space<hbm>> -> memref<128xi32, #tpu.memory_space<hbm>>
        tpu.enqueue_dma source(%dma_start3A_122 : memref<128xi32, #tpu.memory_space<hbm>>) target(%arg8 : memref<128xi32, #tpu.memory_space<vmem>>) target_semaphore(%run_scoped3A : memref<!tpu.dma_semaphore, #tpu.memory_space<semaphore_mem>>)
        %dma_wait3A_123 = arith.constant 0 : i32
        %dma_wait3A_124 = tpu.memref_slice %arg3[%add3A, %scan3A_20, %dma_wait3A_123] : memref<32x79x128xi32, #tpu.memory_space<hbm>> -> memref<1x1x128xi32, #tpu.memory_space<hbm>>
        %dma_wait3A_125 = tpu.memref_squeeze %dma_wait3A_124 : memref<1x1x128xi32, #tpu.memory_space<hbm>> -> memref<128xi32, #tpu.memory_space<hbm>>
        %dma_wait3A_126 = arith.constant 0 : i32
        %dma_wait3A_127 = tpu.memref_slice %arg3[%add3A, %scan3A_20, %dma_wait3A_126] : memref<32x79x128xi32, #tpu.memory_space<hbm>> -> memref<1x1x128xi32, #tpu.memory_space<hbm>>
        %dma_wait3A_128 = tpu.memref_squeeze %dma_wait3A_127 : memref<1x1x128xi32, #tpu.memory_space<hbm>> -> memref<128xi32, #tpu.memory_space<hbm>>
        tpu.wait_dma2 semaphore(%run_scoped3A : memref<!tpu.dma_semaphore, #tpu.memory_space<semaphore_mem>>) src(%dma_wait3A_128 : memref<128xi32, #tpu.memory_space<hbm>>) dst(%arg8 : memref<128xi32, #tpu.memory_space<vmem>>)
        tpu.yield
      }) : () -> ()
      %get3A = arith.constant 0 : index
      %get3A_21 = tpu.vector_load %arg8[%get3A] {strides = array<i32>} : memref<128xi32, #tpu.memory_space<vmem>>, vector<16xi32>,
      %shift_right_logical3A = arith.constant 14 : i32
      %shift_right_logical3A_22 = vector.broadcast %shift_right_logical3A : i32 to vector<16xi32>
      %shift_right_logical3A_23 = arith.shrui %get3A_21, %shift_right_logical3A_22 : vector<16xi32>
      %swap3A = arith.constant 0 : index
      %swap3A_24 = tpu.vector_load %arg9[%swap3A] {strides = array<i32>} : memref<128xi32, #tpu.memory_space<vmem>>, vector<16xi32>,
      tpu.vector_store %arg9[%swap3A], %shift_right_logical3A_23 {strides = array<i32>} : memref<128xi32, #tpu.memory_space<vmem>>, vector<16xi32>,
      %and3A = arith.constant 16383 : i32
      %and3A_25 = vector.broadcast %and3A : i32 to vector<16xi32>
      %and3A_26 = arith.andi %get3A_21, %and3A_25 : vector<16xi32>
      %swap3A_27 = arith.constant 0 : index
      %swap3A_28 = tpu.vector_load %arg10[%swap3A_27] {strides = array<i32>} : memref<128xi32, #tpu.memory_space<vmem>>, vector<16xi32>,
      tpu.vector_store %arg10[%swap3A_27], %and3A_26 {strides = array<i32>} : memref<128xi32, #tpu.memory_space<vmem>>, vector<16xi32>,
      tpu.vector_store_idx %arg12[%and3A_26], %broadcast_in_dim3A_13 {add = true} : memref<10240xf32, #tpu.memory_space<vmem>>[vector<16xi32>], vector<16xf32>,
      %get3A_29 = arith.constant 16 : index
      %get3A_30 = tpu.vector_load %arg8[%get3A_29] {strides = array<i32>} : memref<128xi32, #tpu.memory_space<vmem>>, vector<16xi32>,
      %shift_right_logical3A_31 = arith.constant 14 : i32
      %shift_right_logical3A_32 = vector.broadcast %shift_right_logical3A_31 : i32 to vector<16xi32>
      %shift_right_logical3A_33 = arith.shrui %get3A_30, %shift_right_logical3A_32 : vector<16xi32>
      %swap3A_34 = arith.constant 16 : index
      %swap3A_35 = tpu.vector_load %arg9[%swap3A_34] {strides = array<i32>} : memref<128xi32, #tpu.memory_space<vmem>>, vector<16xi32>,
      tpu.vector_store %arg9[%swap3A_34], %shift_right_logical3A_33 {strides = array<i32>} : memref<128xi32, #tpu.memory_space<vmem>>, vector<16xi32>,
      %and3A_36 = arith.constant 16383 : i32
      %and3A_37 = vector.broadcast %and3A_36 : i32 to vector<16xi32>
      %and3A_38 = arith.andi %get3A_30, %and3A_37 : vector<16xi32>
      %swap3A_39 = arith.constant 16 : index
      %swap3A_40 = tpu.vector_load %arg10[%swap3A_39] {strides = array<i32>} : memref<128xi32, #tpu.memory_space<vmem>>, vector<16xi32>,
      tpu.vector_store %arg10[%swap3A_39], %and3A_38 {strides = array<i32>} : memref<128xi32, #tpu.memory_space<vmem>>, vector<16xi32>,
      tpu.vector_store_idx %arg12[%and3A_38], %broadcast_in_dim3A_13 {add = true} : memref<10240xf32, #tpu.memory_space<vmem>>[vector<16xi32>], vector<16xf32>,
      %get3A_41 = arith.constant 32 : index
      %get3A_42 = tpu.vector_load %arg8[%get3A_41] {strides = array<i32>} : memref<128xi32, #tpu.memory_space<vmem>>, vector<16xi32>,
      %shift_right_logical3A_43 = arith.constant 14 : i32
      %shift_right_logical3A_44 = vector.broadcast %shift_right_logical3A_43 : i32 to vector<16xi32>
      %shift_right_logical3A_45 = arith.shrui %get3A_42, %shift_right_logical3A_44 : vector<16xi32>
      %swap3A_46 = arith.constant 32 : index
      %swap3A_47 = tpu.vector_load %arg9[%swap3A_46] {strides = array<i32>} : memref<128xi32, #tpu.memory_space<vmem>>, vector<16xi32>,
      tpu.vector_store %arg9[%swap3A_46], %shift_right_logical3A_45 {strides = array<i32>} : memref<128xi32, #tpu.memory_space<vmem>>, vector<16xi32>,
      %and3A_48 = arith.constant 16383 : i32
      %and3A_49 = vector.broadcast %and3A_48 : i32 to vector<16xi32>
      %and3A_50 = arith.andi %get3A_42, %and3A_49 : vector<16xi32>
      %swap3A_51 = arith.constant 32 : index
      %swap3A_52 = tpu.vector_load %arg10[%swap3A_51] {strides = array<i32>} : memref<128xi32, #tpu.memory_space<vmem>>, vector<16xi32>,
      tpu.vector_store %arg10[%swap3A_51], %and3A_50 {strides = array<i32>} : memref<128xi32, #tpu.memory_space<vmem>>, vector<16xi32>,
      tpu.vector_store_idx %arg12[%and3A_50], %broadcast_in_dim3A_13 {add = true} : memref<10240xf32, #tpu.memory_space<vmem>>[vector<16xi32>], vector<16xf32>,
      %get3A_53 = arith.constant 48 : index
      %get3A_54 = tpu.vector_load %arg8[%get3A_53] {strides = array<i32>} : memref<128xi32, #tpu.memory_space<vmem>>, vector<16xi32>,
      %shift_right_logical3A_55 = arith.constant 14 : i32
      %shift_right_logical3A_56 = vector.broadcast %shift_right_logical3A_55 : i32 to vector<16xi32>
      %shift_right_logical3A_57 = arith.shrui %get3A_54, %shift_right_logical3A_56 : vector<16xi32>
      %swap3A_58 = arith.constant 48 : index
      %swap3A_59 = tpu.vector_load %arg9[%swap3A_58] {strides = array<i32>} : memref<128xi32, #tpu.memory_space<vmem>>, vector<16xi32>,
      tpu.vector_store %arg9[%swap3A_58], %shift_right_logical3A_57 {strides = array<i32>} : memref<128xi32, #tpu.memory_space<vmem>>, vector<16xi32>,
      %and3A_60 = arith.constant 16383 : i32
      %and3A_61 = vector.broadcast %and3A_60 : i32 to vector<16xi32>
      %and3A_62 = arith.andi %get3A_54, %and3A_61 : vector<16xi32>
      %swap3A_63 = arith.constant 48 : index
      %swap3A_64 = tpu.vector_load %arg10[%swap3A_63] {strides = array<i32>} : memref<128xi32, #tpu.memory_space<vmem>>, vector<16xi32>,
      tpu.vector_store %arg10[%swap3A_63], %and3A_62 {strides = array<i32>} : memref<128xi32, #tpu.memory_space<vmem>>, vector<16xi32>,
      tpu.vector_store_idx %arg12[%and3A_62], %broadcast_in_dim3A_13 {add = true} : memref<10240xf32, #tpu.memory_space<vmem>>[vector<16xi32>], vector<16xf32>,
      %get3A_65 = arith.constant 64 : index
      %get3A_66 = tpu.vector_load %arg8[%get3A_65] {strides = array<i32>} : memref<128xi32, #tpu.memory_space<vmem>>, vector<16xi32>,
      %shift_right_logical3A_67 = arith.constant 14 : i32
      %shift_right_logical3A_68 = vector.broadcast %shift_right_logical3A_67 : i32 to vector<16xi32>
      %shift_right_logical3A_69 = arith.shrui %get3A_66, %shift_right_logical3A_68 : vector<16xi32>
      %swap3A_70 = arith.constant 64 : index
      %swap3A_71 = tpu.vector_load %arg9[%swap3A_70] {strides = array<i32>} : memref<128xi32, #tpu.memory_space<vmem>>, vector<16xi32>,
      tpu.vector_store %arg9[%swap3A_70], %shift_right_logical3A_69 {strides = array<i32>} : memref<128xi32, #tpu.memory_space<vmem>>, vector<16xi32>,
      %and3A_72 = arith.constant 16383 : i32
      %and3A_73 = vector.broadcast %and3A_72 : i32 to vector<16xi32>
      %and3A_74 = arith.andi %get3A_66, %and3A_73 : vector<16xi32>
      %swap3A_75 = arith.constant 64 : index
      %swap3A_76 = tpu.vector_load %arg10[%swap3A_75] {strides = array<i32>} : memref<128xi32, #tpu.memory_space<vmem>>, vector<16xi32>,
      tpu.vector_store %arg10[%swap3A_75], %and3A_74 {strides = array<i32>} : memref<128xi32, #tpu.memory_space<vmem>>, vector<16xi32>,
      tpu.vector_store_idx %arg12[%and3A_74], %broadcast_in_dim3A_13 {add = true} : memref<10240xf32, #tpu.memory_space<vmem>>[vector<16xi32>], vector<16xf32>,
      %get3A_77 = arith.constant 80 : index
      %get3A_78 = tpu.vector_load %arg8[%get3A_77] {strides = array<i32>} : memref<128xi32, #tpu.memory_space<vmem>>, vector<16xi32>,
      %shift_right_logical3A_79 = arith.constant 14 : i32
      %shift_right_logical3A_80 = vector.broadcast %shift_right_logical3A_79 : i32 to vector<16xi32>
      %shift_right_logical3A_81 = arith.shrui %get3A_78, %shift_right_logical3A_80 : vector<16xi32>
      %swap3A_82 = arith.constant 80 : index
      %swap3A_83 = tpu.vector_load %arg9[%swap3A_82] {strides = array<i32>} : memref<128xi32, #tpu.memory_space<vmem>>, vector<16xi32>,
      tpu.vector_store %arg9[%swap3A_82], %shift_right_logical3A_81 {strides = array<i32>} : memref<128xi32, #tpu.memory_space<vmem>>, vector<16xi32>,
      %and3A_84 = arith.constant 16383 : i32
      %and3A_85 = vector.broadcast %and3A_84 : i32 to vector<16xi32>
      %and3A_86 = arith.andi %get3A_78, %and3A_85 : vector<16xi32>
      %swap3A_87 = arith.constant 80 : index
      %swap3A_88 = tpu.vector_load %arg10[%swap3A_87] {strides = array<i32>} : memref<128xi32, #tpu.memory_space<vmem>>, vector<16xi32>,
      tpu.vector_store %arg10[%swap3A_87], %and3A_86 {strides = array<i32>} : memref<128xi32, #tpu.memory_space<vmem>>, vector<16xi32>,
      tpu.vector_store_idx %arg12[%and3A_86], %broadcast_in_dim3A_13 {add = true} : memref<10240xf32, #tpu.memory_space<vmem>>[vector<16xi32>], vector<16xf32>,
      %get3A_89 = arith.constant 96 : index
      %get3A_90 = tpu.vector_load %arg8[%get3A_89] {strides = array<i32>} : memref<128xi32, #tpu.memory_space<vmem>>, vector<16xi32>,
      %shift_right_logical3A_91 = arith.constant 14 : i32
      %shift_right_logical3A_92 = vector.broadcast %shift_right_logical3A_91 : i32 to vector<16xi32>
      %shift_right_logical3A_93 = arith.shrui %get3A_90, %shift_right_logical3A_92 : vector<16xi32>
      %swap3A_94 = arith.constant 96 : index
      %swap3A_95 = tpu.vector_load %arg9[%swap3A_94] {strides = array<i32>} : memref<128xi32, #tpu.memory_space<vmem>>, vector<16xi32>,
      tpu.vector_store %arg9[%swap3A_94], %shift_right_logical3A_93 {strides = array<i32>} : memref<128xi32, #tpu.memory_space<vmem>>, vector<16xi32>,
      %and3A_96 = arith.constant 16383 : i32
      %and3A_97 = vector.broadcast %and3A_96 : i32 to vector<16xi32>
      %and3A_98 = arith.andi %get3A_90, %and3A_97 : vector<16xi32>
      %swap3A_99 = arith.constant 96 : index
      %swap3A_100 = tpu.vector_load %arg10[%swap3A_99] {strides = array<i32>} : memref<128xi32, #tpu.memory_space<vmem>>, vector<16xi32>,
      tpu.vector_store %arg10[%swap3A_99], %and3A_98 {strides = array<i32>} : memref<128xi32, #tpu.memory_space<vmem>>, vector<16xi32>,
      tpu.vector_store_idx %arg12[%and3A_98], %broadcast_in_dim3A_13 {add = true} : memref<10240xf32, #tpu.memory_space<vmem>>[vector<16xi32>], vector<16xf32>,
      %get3A_101 = arith.constant 112 : index
      %get3A_102 = tpu.vector_load %arg8[%get3A_101] {strides = array<i32>} : memref<128xi32, #tpu.memory_space<vmem>>, vector<16xi32>,
      %shift_right_logical3A_103 = arith.constant 14 : i32
      %shift_right_logical3A_104 = vector.broadcast %shift_right_logical3A_103 : i32 to vector<16xi32>
      %shift_right_logical3A_105 = arith.shrui %get3A_102, %shift_right_logical3A_104 : vector<16xi32>
      %swap3A_106 = arith.constant 112 : index
      %swap3A_107 = tpu.vector_load %arg9[%swap3A_106] {strides = array<i32>} : memref<128xi32, #tpu.memory_space<vmem>>, vector<16xi32>,
      tpu.vector_store %arg9[%swap3A_106], %shift_right_logical3A_105 {strides = array<i32>} : memref<128xi32, #tpu.memory_space<vmem>>, vector<16xi32>,
      %and3A_108 = arith.constant 16383 : i32
      %and3A_109 = vector.broadcast %and3A_108 : i32 to vector<16xi32>
      %and3A_110 = arith.andi %get3A_102, %and3A_109 : vector<16xi32>
      %swap3A_111 = arith.constant 112 : index
      %swap3A_112 = tpu.vector_load %arg10[%swap3A_111] {strides = array<i32>} : memref<128xi32, #tpu.memory_space<vmem>>, vector<16xi32>,
      tpu.vector_store %arg10[%swap3A_111], %and3A_110 {strides = array<i32>} : memref<128xi32, #tpu.memory_space<vmem>>, vector<16xi32>,
      tpu.vector_store_idx %arg12[%and3A_110], %broadcast_in_dim3A_13 {add = true} : memref<10240xf32, #tpu.memory_space<vmem>>[vector<16xi32>], vector<16xf32>,
      %dma_start3A = arith.constant 0 : i32
      %dma_start3A_113 = arith.constant 0 : i32
      %dma_start3A_114 = tpu.memref_slice %arg2[%dma_start3A, %dma_start3A_113] : memref<80000x128xf32, #tpu.memory_space<hbm>> -> memref<80000x128xf32, #tpu.memory_space<hbm>>
      tpu.enqueue_indirect_dma source(%dma_start3A_114 : memref<80000x128xf32, #tpu.memory_space<hbm>>) target(%arg11 : memref<128x128xf32, #tpu.memory_space<vmem>>) offsets(%arg9 : memref<128xi32, #tpu.memory_space<vmem>>) semaphore(%arg14 : memref<!tpu.dma_semaphore, #tpu.memory_space<semaphore_mem>>)
      %dma_wait3A = arith.constant 0 : i32
      %dma_wait3A_115 = arith.constant 0 : i32
      %dma_wait3A_116 = tpu.memref_slice %arg2[%dma_wait3A, %dma_wait3A_115] : memref<80000x128xf32, #tpu.memory_space<hbm>> -> memref<80000x128xf32, #tpu.memory_space<hbm>>
      tpu.wait_indirect_dma semaphore(%arg14 : memref<!tpu.dma_semaphore, #tpu.memory_space<semaphore_mem>>) src(%dma_wait3A_116 : memref<80000x128xf32, #tpu.memory_space<hbm>>) dst(%arg11 : memref<128x128xf32, #tpu.memory_space<vmem>>)
      "tpu.region"() ({
        %run_scoped3A = tpu.sem_alloc : memref<!tpu.dma_semaphore, #tpu.memory_space<semaphore_mem>>
        %dma_start3A_117 = arith.constant 0 : i32
        %dma_start3A_118 = arith.constant 0 : i32
        %dma_start3A_119 = tpu.memref_slice %arg13[%dma_start3A_117, %dma_start3A_118] : memref<10240x128xf32, #tpu.memory_space<vmem_shared>> -> memref<10240x128xf32, #tpu.memory_space<vmem_shared>>
        tpu.enqueue_indirect_dma source(%arg11 : memref<128x128xf32, #tpu.memory_space<vmem>>) target(%dma_start3A_119 : memref<10240x128xf32, #tpu.memory_space<vmem_shared>>) offsets(%arg10 : memref<128xi32, #tpu.memory_space<vmem>>) semaphore(%run_scoped3A : memref<!tpu.dma_semaphore, #tpu.memory_space<semaphore_mem>>) {add = true}
        %dma_wait3A_120 = arith.constant 0 : i32
        %dma_wait3A_121 = arith.constant 0 : i32
        %dma_wait3A_122 = tpu.memref_slice %arg13[%dma_wait3A_120, %dma_wait3A_121] : memref<10240x128xf32, #tpu.memory_space<vmem_shared>> -> memref<10240x128xf32, #tpu.memory_space<vmem_shared>>
        tpu.wait_indirect_dma semaphore(%run_scoped3A : memref<!tpu.dma_semaphore, #tpu.memory_space<semaphore_mem>>) src(%arg11 : memref<128x128xf32, #tpu.memory_space<vmem>>) dst(%dma_wait3A_122 : memref<10240x128xf32, #tpu.memory_space<vmem_shared>>)
        tpu.yield
      }) : () -> ()
    }
    %scan3A_18 = arith.constant 79 : i32
    %barrier3A_19 = arith.constant 0 : index
    tpu.barrier barrier_id(%barrier3A_19)
    "tpu.region"() ({
      %run_scoped3A = tpu.sem_alloc : memref<!tpu.dma_semaphore, #tpu.memory_space<semaphore_mem>>
      %dma_start3A = arith.constant 0 : i32
      %dma_start3A_20 = tpu.memref_slice %arg6[%arg0, %mul3A_2, %dma_start3A] : memref<2x10240x128xf32, #tpu.memory_space<hbm>> -> memref<1x640x128xf32, #tpu.memory_space<hbm>>
      %dma_start3A_21 = tpu.memref_squeeze %dma_start3A_20 : memref<1x640x128xf32, #tpu.memory_space<hbm>> -> memref<640x128xf32, #tpu.memory_space<hbm>>
      %dma_start3A_22 = arith.constant 0 : i32
      %dma_start3A_23 = tpu.memref_slice %arg13[%mul3A_2, %dma_start3A_22] : memref<10240x128xf32, #tpu.memory_space<vmem_shared>> -> memref<640x128xf32, #tpu.memory_space<vmem_shared>>
      tpu.enqueue_dma source(%dma_start3A_23 : memref<640x128xf32, #tpu.memory_space<vmem_shared>>) target(%dma_start3A_21 : memref<640x128xf32, #tpu.memory_space<hbm>>) target_semaphore(%run_scoped3A : memref<!tpu.dma_semaphore, #tpu.memory_space<semaphore_mem>>)
      %dma_wait3A = arith.constant 0 : i32
      %dma_wait3A_24 = tpu.memref_slice %arg6[%arg0, %mul3A_2, %dma_wait3A] : memref<2x10240x128xf32, #tpu.memory_space<hbm>> -> memref<1x640x128xf32, #tpu.memory_space<hbm>>
      %dma_wait3A_25 = tpu.memref_squeeze %dma_wait3A_24 : memref<1x640x128xf32, #tpu.memory_space<hbm>> -> memref<640x128xf32, #tpu.memory_space<hbm>>
      %dma_wait3A_26 = arith.constant 0 : i32
      %dma_wait3A_27 = tpu.memref_slice %arg13[%mul3A_2, %dma_wait3A_26] : memref<10240x128xf32, #tpu.memory_space<vmem_shared>> -> memref<640x128xf32, #tpu.memory_space<vmem_shared>>
      tpu.wait_dma2 semaphore(%run_scoped3A : memref<!tpu.dma_semaphore, #tpu.memory_space<semaphore_mem>>) src(%dma_wait3A_27 : memref<640x128xf32, #tpu.memory_space<vmem_shared>>) dst(%dma_wait3A_25 : memref<640x128xf32, #tpu.memory_space<hbm>>)
      tpu.yield
    }) : () -> ()
    "tpu.region"() ({
      %run_scoped3A = tpu.sem_alloc : memref<!tpu.dma_semaphore, #tpu.memory_space<semaphore_mem>>
      %dma_start3A = arith.constant 0 : i32
      %dma_start3A_20 = tpu.memref_slice %arg7[%add3A, %dma_start3A] : memref<32x10240xf32, #tpu.memory_space<hbm>> -> memref<1x10240xf32, #tpu.memory_space<hbm>>
      %dma_start3A_21 = tpu.memref_squeeze %dma_start3A_20 : memref<1x10240xf32, #tpu.memory_space<hbm>> -> memref<10240xf32, #tpu.memory_space<hbm>>
      %dma_start3A_22 = arith.constant 0 : i32
      %dma_start3A_23 = tpu.memref_slice %arg7[%add3A, %dma_start3A_22] : memref<32x10240xf32, #tpu.memory_space<hbm>> -> memref<1x10240xf32, #tpu.memory_space<hbm>>
      %dma_start3A_24 = tpu.memref_squeeze %dma_start3A_23 : memref<1x10240xf32, #tpu.memory_space<hbm>> -> memref<10240xf32, #tpu.memory_space<hbm>>
      tpu.enqueue_dma source(%arg12 : memref<10240xf32, #tpu.memory_space<vmem>>) target(%dma_start3A_24 : memref<10240xf32, #tpu.memory_space<hbm>>) target_semaphore(%run_scoped3A : memref<!tpu.dma_semaphore, #tpu.memory_space<semaphore_mem>>)
      %dma_wait3A = arith.constant 0 : i32
      %dma_wait3A_25 = tpu.memref_slice %arg7[%add3A, %dma_wait3A] : memref<32x10240xf32, #tpu.memory_space<hbm>> -> memref<1x10240xf32, #tpu.memory_space<hbm>>
      %dma_wait3A_26 = tpu.memref_squeeze %dma_wait3A_25 : memref<1x10240xf32, #tpu.memory_space<hbm>> -> memref<10240xf32, #tpu.memory_space<hbm>>
      %dma_wait3A_27 = arith.constant 0 : i32
      %dma_wait3A_28 = tpu.memref_slice %arg7[%add3A, %dma_wait3A_27] : memref<32x10240xf32, #tpu.memory_space<hbm>> -> memref<1x10240xf32, #tpu.memory_space<hbm>>
      %dma_wait3A_29 = tpu.memref_squeeze %dma_wait3A_28 : memref<1x10240xf32, #tpu.memory_space<hbm>> -> memref<10240xf32, #tpu.memory_space<hbm>>
      tpu.wait_dma2 semaphore(%run_scoped3A : memref<!tpu.dma_semaphore, #tpu.memory_space<semaphore_mem>>) src(%arg12 : memref<10240xf32, #tpu.memory_space<vmem>>) dst(%dma_wait3A_29 : memref<10240xf32, #tpu.memory_space<hbm>>)
      tpu.yield
    }) : () -> ()
    return
  }
}

module attributes {stable_mosaic.version = 14 : i64} {
  func.func @_transform_body(%arg0: i32, %arg1: i32, %arg2: memref<2000x128xf32, #tpu.memory_space<vmem>>, %arg3: memref<1x128x128xf32, #tpu.memory_space<vmem>>, %arg4: memref<1x1x128xf32, #tpu.memory_space<vmem>>, %arg5: memref<1x2000x128xf32, #tpu.memory_space<vmem>>) attributes {dimension_semantics = [#tpu.dimension_semantics<arbitrary>, #tpu.dimension_semantics<arbitrary>], iteration_bounds = array<i64: 5, 8>, scalar_prefetch = 0 : i64, scratch_operands = 0 : i64, tpu.core_type = #tpu.core_type<tc>, window_params = [{transform_indices = @transform_0, window_bounds = array<i64: 2000, 128>}, {transform_indices = @transform_1, window_bounds = array<i64: 1, 128, 128>}, {transform_indices = @transform_2, window_bounds = array<i64: 1, 1, 128>}, {transform_indices = @transform_3, window_bounds = array<i64: 1, 2000, 128>}]} {
    %get3A = arith.constant 0 : index
    %get3A_0 = arith.constant 0 : index
    %get3A_1 = vector.load %arg2[%get3A, %get3A_0] : memref<2000x128xf32, #tpu.memory_space<vmem>>, vector<2000x128xf32>
    %get3A_2 = arith.constant 0 : index
    %get3A_3 = arith.constant 0 : index
    %get3A_4 = arith.constant 0 : index
    %get3A_5 = vector.load %arg3[%get3A_2, %get3A_3, %get3A_4] : memref<1x128x128xf32, #tpu.memory_space<vmem>>, vector<1x128x128xf32>
    %get3A_6 = vector.shape_cast %get3A_5 : vector<1x128x128xf32> to vector<128x128xf32>
    %dot_general3A = arith.constant dense<0.000000e+00> : vector<2000x128xf32>
    %dot_general3A_7 = tpu.matmul %get3A_1, %get3A_6, %dot_general3A {dimension_numbers = #tpu.dot_dimension_numbers<[1], [0], [0], [1], [0, 0, 1, 1], [], []>, transpose_lhs_hint = false} : vector<2000x128xf32>, vector<128x128xf32>, vector<2000x128xf32> -> vector<2000x128xf32>
    %get3A_8 = arith.constant 0 : index
    %get3A_9 = arith.constant 0 : index
    %get3A_10 = arith.constant 0 : index
    %get3A_11 = vector.load %arg4[%get3A_8, %get3A_9, %get3A_10] : memref<1x1x128xf32, #tpu.memory_space<vmem>>, vector<1x1x128xf32>
    %get3A_12 = vector.shape_cast %get3A_11 : vector<1x1x128xf32> to vector<1x128xf32>
    %add3A = vector.broadcast %get3A_12 : vector<1x128xf32> to vector<2000x128xf32>
    %add3A_13 = arith.addf %dot_general3A_7, %add3A : vector<2000x128xf32>
    %swap3A = arith.constant 0 : index
    %swap3A_14 = arith.constant 0 : index
    %swap3A_15 = arith.constant 0 : index
    %swap3A_16 = vector.load %arg5[%swap3A, %swap3A_14, %swap3A_15] : memref<1x2000x128xf32, #tpu.memory_space<vmem>>, vector<1x2000x128xf32>
    %swap3A_17 = vector.shape_cast %swap3A_16 : vector<1x2000x128xf32> to vector<2000x128xf32>
    %swap3A_18 = vector.shape_cast %add3A_13 : vector<2000x128xf32> to vector<1x2000x128xf32>
    tpu.vector_store %arg5[%swap3A, %swap3A_14, %swap3A_15], %swap3A_18 {strides = array<i32>} : memref<1x2000x128xf32, #tpu.memory_space<vmem>>, vector<1x2000x128xf32>,
    return
  }
  func.func @transform_0(%arg0: i32, %arg1: i32) -> (i32, i32) {
    %c0_i32 = arith.constant 0 : i32
    %c0_i32_0 = arith.constant 0 : i32
    return %arg0, %c0_i32 : i32, i32
  }
  func.func @transform_1(%arg0: i32, %arg1: i32) -> (i32, i32, i32) {
    %c0_i32 = arith.constant 0 : i32
    %c0_i32_0 = arith.constant 0 : i32
    %c0_i32_1 = arith.constant 0 : i32
    return %arg1, %c0_i32, %c0_i32_0 : i32, i32, i32
  }
  func.func @transform_2(%arg0: i32, %arg1: i32) -> (i32, i32, i32) {
    %c0_i32 = arith.constant 0 : i32
    %c0_i32_0 = arith.constant 0 : i32
    %c0_i32_1 = arith.constant 0 : i32
    return %arg1, %c0_i32, %c0_i32_0 : i32, i32, i32
  }
  func.func @transform_3(%arg0: i32, %arg1: i32) -> (i32, i32, i32) {
    %c0_i32 = arith.constant 0 : i32
    %c0_i32_0 = arith.constant 0 : i32
    return %arg1, %arg0, %c0_i32 : i32, i32, i32
  }
}

module attributes {stable_mosaic.version = 14 : i64} {
  func.func @_combine_body(%arg0: i32, %arg1: memref<2x2048x128xf32, #tpu.memory_space<vmem>>, %arg2: memref<32x16x128xf32, #tpu.memory_space<vmem>>, %arg3: memref<2048x128xf32, #tpu.memory_space<vmem>>, %arg4: memref<1x1x2048xi32, #tpu.memory_space<vmem>>, %arg5: memref<4x128x128xf32, #tpu.memory_space<vmem>>, %arg6: memref<4x1x128xf32, #tpu.memory_space<vmem>>, %arg7: memref<2048x128xf32, #tpu.memory_space<vmem>>) attributes {dimension_semantics = [#tpu.dimension_semantics<arbitrary>], iteration_bounds = array<i64: 5>, scalar_prefetch = 0 : i64, scratch_operands = 0 : i64, tpu.core_type = #tpu.core_type<tc>, window_params = [{transform_indices = @transform_0, window_bounds = array<i64: 2, 2048, 128>}, {transform_indices = @transform_1, window_bounds = array<i64: 32, 16, 128>}, {transform_indices = @transform_2, window_bounds = array<i64: 2048, 128>}, {transform_indices = @transform_3, window_bounds = array<i64: 1, 1, 2048>}, {pipeline_mode = #tpu.pipeline_mode<synchronous>, transform_indices = @transform_4, window_bounds = array<i64: 4, 128, 128>}, {pipeline_mode = #tpu.pipeline_mode<synchronous>, transform_indices = @transform_5, window_bounds = array<i64: 4, 1, 128>}, {transform_indices = @transform_6, window_bounds = array<i64: 2048, 128>}]} {
    %get3A = arith.constant 0 : index
    %get3A_0 = arith.constant 0 : index
    %get3A_1 = arith.constant 0 : index
    %get3A_2 = vector.load %arg1[%get3A, %get3A_0, %get3A_1] : memref<2x2048x128xf32, #tpu.memory_space<vmem>>, vector<1x2048x128xf32>
    %get3A_3 = vector.shape_cast %get3A_2 : vector<1x2048x128xf32> to vector<2048x128xf32>
    %get3A_4 = arith.constant 1 : index
    %get3A_5 = arith.constant 0 : index
    %get3A_6 = arith.constant 0 : index
    %get3A_7 = vector.load %arg1[%get3A_4, %get3A_5, %get3A_6] : memref<2x2048x128xf32, #tpu.memory_space<vmem>>, vector<1x2048x128xf32>
    %get3A_8 = vector.shape_cast %get3A_7 : vector<1x2048x128xf32> to vector<2048x128xf32>
    %add3A = arith.addf %get3A_3, %get3A_8 : vector<2048x128xf32>
    %get3A_9 = arith.constant 0 : index
    %get3A_10 = arith.constant 0 : index
    %get3A_11 = arith.constant 0 : index
    %get3A_12 = vector.load %arg2[%get3A_9, %get3A_10, %get3A_11] : memref<32x16x128xf32, #tpu.memory_space<vmem>>, vector<32x16x128xf32>
    %reduce_sum3A = arith.constant dense<0.000000e+00> : vector<16x128xf32>
    %reduce_sum3A_13 = vector.multi_reduction <add>, %get3A_12, %reduce_sum3A [0] : vector<32x16x128xf32> to vector<16x128xf32>
    %iota3A = tpu.iota {dimensions = array<i32: 0>} : vector<2048x16xi32>
    %iota3A_14 = tpu.iota {dimensions = array<i32: 1>} : vector<2048x16xi32>
    %jit3A = arith.constant 128 : i32
    %div3A = vector.broadcast %jit3A : i32 to vector<2048x16xi32>
    %div3A_15 = arith.divsi %iota3A, %div3A : vector<2048x16xi32>
    %sign3A = arith.constant 0 : i32
    %sign3A_16 = vector.broadcast %sign3A : i32 to vector<2048x16xi32>
    %sign3A_17 = arith.cmpi sgt, %iota3A, %sign3A_16 : vector<2048x16xi32>
    %sign3A_18 = arith.extui %sign3A_17 : vector<2048x16xi1> to vector<2048x16xi32>
    %sign3A_19 = arith.constant 0 : i32
    %sign3A_20 = vector.broadcast %sign3A_19 : i32 to vector<2048x16xi32>
    %sign3A_21 = arith.cmpi slt, %iota3A, %sign3A_20 : vector<2048x16xi32>
    %sign3A_22 = arith.extui %sign3A_21 : vector<2048x16xi1> to vector<2048x16xi32>
    %sign3A_23 = arith.subi %sign3A_18, %sign3A_22 : vector<2048x16xi32>
    %sign3A_24 = arith.constant 0 : i32
    %sign3A_25 = arith.cmpi sgt, %jit3A, %sign3A_24 : i32
    %sign3A_26 = arith.extui %sign3A_25 : i1 to i32
    %sign3A_27 = arith.constant 0 : i32
    %sign3A_28 = arith.cmpi slt, %jit3A, %sign3A_27 : i32
    %sign3A_29 = arith.extui %sign3A_28 : i1 to i32
    %sign3A_30 = arith.subi %sign3A_26, %sign3A_29 : i32
    %ne3A = vector.broadcast %sign3A_30 : i32 to vector<2048x16xi32>
    %ne3A_31 = arith.cmpi ne, %sign3A_23, %ne3A : vector<2048x16xi32>
    %rem3A = vector.broadcast %jit3A : i32 to vector<2048x16xi32>
    %rem3A_32 = arith.remsi %iota3A, %rem3A : vector<2048x16xi32>
    %ne3A_33 = arith.constant 0 : i32
    %ne3A_34 = vector.broadcast %ne3A_33 : i32 to vector<2048x16xi32>
    %ne3A_35 = arith.cmpi ne, %rem3A_32, %ne3A_34 : vector<2048x16xi32>
    %and3A = arith.andi %ne3A_31, %ne3A_35 : vector<2048x16xi1>
    %sub3A = arith.constant 1 : i32
    %sub3A_36 = vector.broadcast %sub3A : i32 to vector<2048x16xi32>
    %sub3A_37 = arith.subi %div3A_15, %sub3A_36 : vector<2048x16xi32>
    %select_n3A = arith.select %and3A, %sub3A_37, %div3A_15 : vector<2048x16xi1>, vector<2048x16xi32>
    %eq3A = arith.cmpi eq, %select_n3A, %iota3A_14 : vector<2048x16xi32>
    %convert_element_type3A = arith.extui %eq3A : vector<2048x16xi1> to vector<2048x16xi32>
    %convert_element_type3A_38 = arith.sitofp %convert_element_type3A : vector<2048x16xi32> to vector<2048x16xf32>
    %dot_general3A = arith.constant dense<0.000000e+00> : vector<2048x128xf32>
    %dot_general3A_39 = tpu.matmul %convert_element_type3A_38, %reduce_sum3A_13, %dot_general3A {dimension_numbers = #tpu.dot_dimension_numbers<[1], [0], [0], [1], [0, 0, 1, 1], [], []>, transpose_lhs_hint = false} : vector<2048x16xf32>, vector<16x128xf32>, vector<2048x128xf32> -> vector<2048x128xf32>
    %iota3A_40 = tpu.iota {dimensions = array<i32: 0>} : vector<2048x128xi32>
    %iota3A_41 = tpu.iota {dimensions = array<i32: 1>} : vector<2048x128xi32>
    %jit3A_42 = arith.constant 128 : i32
    %eq3A_43 = arith.constant 0 : i32
    %eq3A_44 = arith.cmpi eq, %jit3A_42, %eq3A_43 : i32
    %jit3A_45 = arith.constant 1 : i32
    %select_n3A_46 = arith.select %eq3A_44, %jit3A_45, %jit3A_42 : i32
    %rem3A_47 = vector.broadcast %select_n3A_46 : i32 to vector<2048x128xi32>
    %rem3A_48 = arith.remsi %iota3A_40, %rem3A_47 : vector<2048x128xi32>
    %ne3A_49 = arith.constant 0 : i32
    %ne3A_50 = vector.broadcast %ne3A_49 : i32 to vector<2048x128xi32>
    %ne3A_51 = arith.cmpi ne, %rem3A_48, %ne3A_50 : vector<2048x128xi32>
    %lt3A = arith.constant 0 : i32
    %lt3A_52 = vector.broadcast %lt3A : i32 to vector<2048x128xi32>
    %lt3A_53 = arith.cmpi slt, %rem3A_48, %lt3A_52 : vector<2048x128xi32>
    %lt3A_54 = arith.constant 0 : i32
    %lt3A_55 = arith.cmpi slt, %select_n3A_46, %lt3A_54 : i32
    %ne3A_56 = vector.broadcast %lt3A_55 : i1 to vector<2048x128xi1>
    %ne3A_57 = vector.broadcast %ne3A_56 : vector<2048x128xi1> to vector<2048x128xi1>
    %ne3A_58 = arith.xori %lt3A_53, %ne3A_57 : vector<2048x128xi1>
    %and3A_59 = arith.andi %ne3A_58, %ne3A_51 : vector<2048x128xi1>
    %add3A_60 = vector.broadcast %select_n3A_46 : i32 to vector<2048x128xi32>
    %add3A_61 = arith.addi %rem3A_48, %add3A_60 : vector<2048x128xi32>
    %select_n3A_62 = arith.select %and3A_59, %add3A_61, %rem3A_48 : vector<2048x128xi1>, vector<2048x128xi32>
    %eq3A_63 = arith.cmpi eq, %select_n3A_62, %iota3A_41 : vector<2048x128xi32>
    %jit3A_64 = arith.constant 0.000000e+00 : f32
    %broadcast_in_dim3A = vector.broadcast %jit3A_64 : f32 to vector<2048x128xf32>
    %select_n3A_65 = arith.select %eq3A_63, %dot_general3A_39, %broadcast_in_dim3A : vector<2048x128xi1>, vector<2048x128xf32>
    %reduce_sum3A_66 = arith.constant dense<0.000000e+00> : vector<2048xf32>
    %reduce_sum3A_67 = vector.multi_reduction <add>, %select_n3A_65, %reduce_sum3A_66 [1] : vector<2048x128xf32> to vector<2048xf32>
    %broadcast_in_dim3A_68 = vector.shape_cast %reduce_sum3A_67 : vector<2048xf32> to vector<2048x1xf32>
    %max3A = arith.constant 1.000000e+00 : f32
    %max3A_69 = vector.broadcast %max3A : f32 to vector<2048x1xf32>
    %max3A_70 = arith.maximumf %broadcast_in_dim3A_68, %max3A_69 : vector<2048x1xf32>
    %div3A_71 = vector.broadcast %max3A_70 : vector<2048x1xf32> to vector<2048x128xf32>
    %div3A_72 = arith.divf %add3A, %div3A_71 : vector<2048x128xf32>
    %get3A_73 = arith.constant 0 : index
    %get3A_74 = arith.constant 0 : index
    %get3A_75 = vector.load %arg3[%get3A_73, %get3A_74] : memref<2048x128xf32, #tpu.memory_space<vmem>>, vector<2048x128xf32>
    %get3A_76 = arith.constant 0 : index
    %get3A_77 = arith.constant 0 : index
    %get3A_78 = arith.constant 0 : index
    %get3A_79 = vector.load %arg4[%get3A_76, %get3A_77, %get3A_78] : memref<1x1x2048xi32, #tpu.memory_space<vmem>>, vector<1x1x2048xi32>
    %get3A_80 = vector.shape_cast %get3A_79 : vector<1x1x2048xi32> to vector<2048xi32>
    %reshape3A = vector.shape_cast %get3A_80 : vector<2048xi32> to vector<2048x1xi32>
    %get3A_81 = arith.constant 0 : index
    %get3A_82 = arith.constant 0 : index
    %get3A_83 = arith.constant 0 : index
    %get3A_84 = vector.load %arg5[%get3A_81, %get3A_82, %get3A_83] : memref<4x128x128xf32, #tpu.memory_space<vmem>>, vector<1x128x128xf32>
    %get3A_85 = vector.shape_cast %get3A_84 : vector<1x128x128xf32> to vector<128x128xf32>
    %dot_general3A_86 = arith.constant dense<0.000000e+00> : vector<2048x128xf32>
    %dot_general3A_87 = tpu.matmul %get3A_75, %get3A_85, %dot_general3A_86 {dimension_numbers = #tpu.dot_dimension_numbers<[1], [0], [0], [1], [0, 0, 1, 1], [], []>, transpose_lhs_hint = false} : vector<2048x128xf32>, vector<128x128xf32>, vector<2048x128xf32> -> vector<2048x128xf32>
    %get3A_88 = arith.constant 0 : index
    %get3A_89 = arith.constant 0 : index
    %get3A_90 = arith.constant 0 : index
    %get3A_91 = vector.load %arg6[%get3A_88, %get3A_89, %get3A_90] : memref<4x1x128xf32, #tpu.memory_space<vmem>>, vector<1x1x128xf32>
    %get3A_92 = vector.shape_cast %get3A_91 : vector<1x1x128xf32> to vector<1x128xf32>
    %add3A_93 = vector.broadcast %get3A_92 : vector<1x128xf32> to vector<2048x128xf32>
    %add3A_94 = arith.addf %dot_general3A_87, %add3A_93 : vector<2048x128xf32>
    %eq3A_95 = arith.constant 0 : i32
    %eq3A_96 = vector.broadcast %eq3A_95 : i32 to vector<2048x1xi32>
    %eq3A_97 = arith.cmpi eq, %reshape3A, %eq3A_96 : vector<2048x1xi32>
    %jit3A_98 = arith.constant 1.000000e+00 : f32
    %jit3A_99 = arith.constant 0.000000e+00 : f32
    %broadcast_in_dim3A_100 = vector.broadcast %jit3A_98 : f32 to vector<2048x1xf32>
    %broadcast_in_dim3A_101 = vector.broadcast %jit3A_99 : f32 to vector<2048x1xf32>
    %select_n3A_102 = arith.select %eq3A_97, %broadcast_in_dim3A_100, %broadcast_in_dim3A_101 : vector<2048x1xi1>, vector<2048x1xf32>
    %mul3A = vector.broadcast %select_n3A_102 : vector<2048x1xf32> to vector<2048x128xf32>
    %mul3A_103 = arith.mulf %mul3A, %add3A_94 : vector<2048x128xf32>
    %add3A_104 = arith.addf %div3A_72, %mul3A_103 : vector<2048x128xf32>
    %get3A_105 = arith.constant 1 : index
    %get3A_106 = arith.constant 0 : index
    %get3A_107 = arith.constant 0 : index
    %get3A_108 = vector.load %arg5[%get3A_105, %get3A_106, %get3A_107] : memref<4x128x128xf32, #tpu.memory_space<vmem>>, vector<1x128x128xf32>
    %get3A_109 = vector.shape_cast %get3A_108 : vector<1x128x128xf32> to vector<128x128xf32>
    %dot_general3A_110 = arith.constant dense<0.000000e+00> : vector<2048x128xf32>
    %dot_general3A_111 = tpu.matmul %get3A_75, %get3A_109, %dot_general3A_110 {dimension_numbers = #tpu.dot_dimension_numbers<[1], [0], [0], [1], [0, 0, 1, 1], [], []>, transpose_lhs_hint = false} : vector<2048x128xf32>, vector<128x128xf32>, vector<2048x128xf32> -> vector<2048x128xf32>
    %get3A_112 = arith.constant 1 : index
    %get3A_113 = arith.constant 0 : index
    %get3A_114 = arith.constant 0 : index
    %get3A_115 = vector.load %arg6[%get3A_112, %get3A_113, %get3A_114] : memref<4x1x128xf32, #tpu.memory_space<vmem>>, vector<1x1x128xf32>
    %get3A_116 = vector.shape_cast %get3A_115 : vector<1x1x128xf32> to vector<1x128xf32>
    %add3A_117 = vector.broadcast %get3A_116 : vector<1x128xf32> to vector<2048x128xf32>
    %add3A_118 = arith.addf %dot_general3A_111, %add3A_117 : vector<2048x128xf32>
    %eq3A_119 = arith.constant 1 : i32
    %eq3A_120 = vector.broadcast %eq3A_119 : i32 to vector<2048x1xi32>
    %eq3A_121 = arith.cmpi eq, %reshape3A, %eq3A_120 : vector<2048x1xi32>
    %jit3A_122 = arith.constant 1.000000e+00 : f32
    %jit3A_123 = arith.constant 0.000000e+00 : f32
    %broadcast_in_dim3A_124 = vector.broadcast %jit3A_122 : f32 to vector<2048x1xf32>
    %broadcast_in_dim3A_125 = vector.broadcast %jit3A_123 : f32 to vector<2048x1xf32>
    %select_n3A_126 = arith.select %eq3A_121, %broadcast_in_dim3A_124, %broadcast_in_dim3A_125 : vector<2048x1xi1>, vector<2048x1xf32>
    %mul3A_127 = vector.broadcast %select_n3A_126 : vector<2048x1xf32> to vector<2048x128xf32>
    %mul3A_128 = arith.mulf %mul3A_127, %add3A_118 : vector<2048x128xf32>
    %add3A_129 = arith.addf %add3A_104, %mul3A_128 : vector<2048x128xf32>
    %get3A_130 = arith.constant 2 : index
    %get3A_131 = arith.constant 0 : index
    %get3A_132 = arith.constant 0 : index
    %get3A_133 = vector.load %arg5[%get3A_130, %get3A_131, %get3A_132] : memref<4x128x128xf32, #tpu.memory_space<vmem>>, vector<1x128x128xf32>
    %get3A_134 = vector.shape_cast %get3A_133 : vector<1x128x128xf32> to vector<128x128xf32>
    %dot_general3A_135 = arith.constant dense<0.000000e+00> : vector<2048x128xf32>
    %dot_general3A_136 = tpu.matmul %get3A_75, %get3A_134, %dot_general3A_135 {dimension_numbers = #tpu.dot_dimension_numbers<[1], [0], [0], [1], [0, 0, 1, 1], [], []>, transpose_lhs_hint = false} : vector<2048x128xf32>, vector<128x128xf32>, vector<2048x128xf32> -> vector<2048x128xf32>
    %get3A_137 = arith.constant 2 : index
    %get3A_138 = arith.constant 0 : index
    %get3A_139 = arith.constant 0 : index
    %get3A_140 = vector.load %arg6[%get3A_137, %get3A_138, %get3A_139] : memref<4x1x128xf32, #tpu.memory_space<vmem>>, vector<1x1x128xf32>
    %get3A_141 = vector.shape_cast %get3A_140 : vector<1x1x128xf32> to vector<1x128xf32>
    %add3A_142 = vector.broadcast %get3A_141 : vector<1x128xf32> to vector<2048x128xf32>
    %add3A_143 = arith.addf %dot_general3A_136, %add3A_142 : vector<2048x128xf32>
    %eq3A_144 = arith.constant 2 : i32
    %eq3A_145 = vector.broadcast %eq3A_144 : i32 to vector<2048x1xi32>
    %eq3A_146 = arith.cmpi eq, %reshape3A, %eq3A_145 : vector<2048x1xi32>
    %jit3A_147 = arith.constant 1.000000e+00 : f32
    %jit3A_148 = arith.constant 0.000000e+00 : f32
    %broadcast_in_dim3A_149 = vector.broadcast %jit3A_147 : f32 to vector<2048x1xf32>
    %broadcast_in_dim3A_150 = vector.broadcast %jit3A_148 : f32 to vector<2048x1xf32>
    %select_n3A_151 = arith.select %eq3A_146, %broadcast_in_dim3A_149, %broadcast_in_dim3A_150 : vector<2048x1xi1>, vector<2048x1xf32>
    %mul3A_152 = vector.broadcast %select_n3A_151 : vector<2048x1xf32> to vector<2048x128xf32>
    %mul3A_153 = arith.mulf %mul3A_152, %add3A_143 : vector<2048x128xf32>
    %add3A_154 = arith.addf %add3A_129, %mul3A_153 : vector<2048x128xf32>
    %get3A_155 = arith.constant 3 : index
    %get3A_156 = arith.constant 0 : index
    %get3A_157 = arith.constant 0 : index
    %get3A_158 = vector.load %arg5[%get3A_155, %get3A_156, %get3A_157] : memref<4x128x128xf32, #tpu.memory_space<vmem>>, vector<1x128x128xf32>
    %get3A_159 = vector.shape_cast %get3A_158 : vector<1x128x128xf32> to vector<128x128xf32>
    %dot_general3A_160 = arith.constant dense<0.000000e+00> : vector<2048x128xf32>
    %dot_general3A_161 = tpu.matmul %get3A_75, %get3A_159, %dot_general3A_160 {dimension_numbers = #tpu.dot_dimension_numbers<[1], [0], [0], [1], [0, 0, 1, 1], [], []>, transpose_lhs_hint = false} : vector<2048x128xf32>, vector<128x128xf32>, vector<2048x128xf32> -> vector<2048x128xf32>
    %get3A_162 = arith.constant 3 : index
    %get3A_163 = arith.constant 0 : index
    %get3A_164 = arith.constant 0 : index
    %get3A_165 = vector.load %arg6[%get3A_162, %get3A_163, %get3A_164] : memref<4x1x128xf32, #tpu.memory_space<vmem>>, vector<1x1x128xf32>
    %get3A_166 = vector.shape_cast %get3A_165 : vector<1x1x128xf32> to vector<1x128xf32>
    %add3A_167 = vector.broadcast %get3A_166 : vector<1x128xf32> to vector<2048x128xf32>
    %add3A_168 = arith.addf %dot_general3A_161, %add3A_167 : vector<2048x128xf32>
    %eq3A_169 = arith.constant 3 : i32
    %eq3A_170 = vector.broadcast %eq3A_169 : i32 to vector<2048x1xi32>
    %eq3A_171 = arith.cmpi eq, %reshape3A, %eq3A_170 : vector<2048x1xi32>
    %jit3A_172 = arith.constant 1.000000e+00 : f32
    %jit3A_173 = arith.constant 0.000000e+00 : f32
    %broadcast_in_dim3A_174 = vector.broadcast %jit3A_172 : f32 to vector<2048x1xf32>
    %broadcast_in_dim3A_175 = vector.broadcast %jit3A_173 : f32 to vector<2048x1xf32>
    %select_n3A_176 = arith.select %eq3A_171, %broadcast_in_dim3A_174, %broadcast_in_dim3A_175 : vector<2048x1xi1>, vector<2048x1xf32>
    %mul3A_177 = vector.broadcast %select_n3A_176 : vector<2048x1xf32> to vector<2048x128xf32>
    %mul3A_178 = arith.mulf %mul3A_177, %add3A_168 : vector<2048x128xf32>
    %add3A_179 = arith.addf %add3A_154, %mul3A_178 : vector<2048x128xf32>
    %gt3A = arith.constant 0.000000e+00 : f32
    %gt3A_180 = vector.broadcast %gt3A : f32 to vector<2048x128xf32>
    %gt3A_181 = arith.cmpf ogt, %add3A_179, %gt3A_180 : vector<2048x128xf32>
    %exp3A = math.exp %add3A_179 : vector<2048x128xf32>
    %sub3A_182 = arith.constant 1.000000e+00 : f32
    %sub3A_183 = vector.broadcast %sub3A_182 : f32 to vector<2048x128xf32>
    %sub3A_184 = arith.subf %exp3A, %sub3A_183 : vector<2048x128xf32>
    %select_n3A_185 = arith.select %gt3A_181, %add3A_179, %sub3A_184 : vector<2048x128xi1>, vector<2048x128xf32>
    %swap3A = arith.constant 0 : index
    %swap3A_186 = arith.constant 0 : index
    %swap3A_187 = vector.load %arg7[%swap3A, %swap3A_186] : memref<2048x128xf32, #tpu.memory_space<vmem>>, vector<2048x128xf32>
    tpu.vector_store %arg7[%swap3A, %swap3A_186], %select_n3A_185 {strides = array<i32>} : memref<2048x128xf32, #tpu.memory_space<vmem>>, vector<2048x128xf32>,
    return
  }
  func.func @transform_0(%arg0: i32) -> (i32, i32, i32) {
    %c0_i32 = arith.constant 0 : i32
    %c0_i32_0 = arith.constant 0 : i32
    %c0_i32_1 = arith.constant 0 : i32
    return %c0_i32, %arg0, %c0_i32_0 : i32, i32, i32
  }
  func.func @transform_1(%arg0: i32) -> (i32, i32, i32) {
    %c0_i32 = arith.constant 0 : i32
    %c0_i32_0 = arith.constant 0 : i32
    %c0_i32_1 = arith.constant 0 : i32
    return %c0_i32, %arg0, %c0_i32_0 : i32, i32, i32
  }
  func.func @transform_2(%arg0: i32) -> (i32, i32) {
    %c0_i32 = arith.constant 0 : i32
    %c0_i32_0 = arith.constant 0 : i32
    return %arg0, %c0_i32 : i32, i32
  }
  func.func @transform_3(%arg0: i32) -> (i32, i32, i32) {
    %c0_i32 = arith.constant 0 : i32
    %c0_i32_0 = arith.constant 0 : i32
    %c0_i32_1 = arith.constant 0 : i32
    return %arg0, %c0_i32, %c0_i32_0 : i32, i32, i32
  }
  func.func @transform_4(%arg0: i32) -> (i32, i32, i32) {
    %c0_i32 = arith.constant 0 : i32
    %c0_i32_0 = arith.constant 0 : i32
    %c0_i32_1 = arith.constant 0 : i32
    %c0_i32_2 = arith.constant 0 : i32
    return %c0_i32, %c0_i32_0, %c0_i32_1 : i32, i32, i32
  }
  func.func @transform_5(%arg0: i32) -> (i32, i32, i32) {
    %c0_i32 = arith.constant 0 : i32
    %c0_i32_0 = arith.constant 0 : i32
    %c0_i32_1 = arith.constant 0 : i32
    %c0_i32_2 = arith.constant 0 : i32
    return %c0_i32, %c0_i32_0, %c0_i32_1 : i32, i32, i32
  }
  func.func @transform_6(%arg0: i32) -> (i32, i32) {
    %c0_i32 = arith.constant 0 : i32
    %c0_i32_0 = arith.constant 0 : i32
    return %arg0, %c0_i32 : i32, i32
  }
}

</mosaic_0001>

<sc_bundles>
// kernel: kernel.5.cloned.1.call-start
scs
__scs_entry_jumppad:
0x0: {  	(pc) =	sbr.rel $0x88, $3  }
0x1: {  	(tag) =	ssettag $0x0;
	lr =	simm.s32 $0x1  }
0x2: {  	[smem:$0x3F99] =	sst lr;
	_ =	strace $0xD0000000  }
0x3: {  	_ = 	snop  }
0x4: {  	_ = 	snop  }
0x5: {  	_ = 	snop  }
0x6: {  	_ = 	snop  }
0x7: {  	_ = 	snop  }
__scs_overlays_trampoline_lowered:
0x8: {  	[smem:$0x3FA8] =	sst s0  }
0x9: {  	[smem:$0x3FA9] =	sst s1  }
0xa: {  	[smem:$0x3FAA] =	sst s2  }
0xb: {  	[smem:$0x3FAB] =	sst s3  }
0xc: {  	[smem:$0x3FAC] =	sst s4  }
0xd: {  	[smem:$0x3FAD] =	sst s5  }
0xe: {  	[smem:$0x3FAE] =	sst s6  }
0xf: {  	[smem:$0x3FAF] =	sst s7  }
0x10: {  	[smem:$0x3FB0] =	sst s8  }
0x11: {  	[smem:$0x3FB1] =	sst s9;
	s0 =	simm.s32 @!p0 $0x0  }
0x12: {  	s1 =	sld [smem:$0x3F97];
	s0 =	simm.s32 @p0 $0x1  }
0x13: {  	[smem:$0x3FB2] =	sst s0;
	s0 =	simm.s32 @!p1 $0x0  }
0x14: {  	s2 =	sld [smem:$0x3F96];
	s0 =	simm.s32 @p1 $0x1  }
0x15: {  	[smem:$0x3FB3] =	sst s0;
	s0 =	simm.s32 @!p2 $0x0  }
0x16: {  	s3 =	sld [smem:$0x3FDB];
	s0 =	simm.s32 @p2 $0x1  }
0x17: {  	s4 =	simm.s32 $0x1BF5;
	[smem:$0x3FB5] =	sst s0  }
0x18: {  	s0 =	sld [smem:$0x3F98];
	_ =	swait.ge [sflag:s4], $0x0  }
0x19: {  	s7 =	sld [smem:$0x3F99]  }
0x1a: {  	s8 =	sadd.s32 $0xFFFFE003, lr  }
0x1b: {  	s9 =	sadd.s32 $0xFFFFFEF7, lr;
	s5 =	simm.s32 $0xFFFFFFFF;
	p2 =	slt.u32 s8, $0xFFFFF086  }
0x1c: {  	p1 =	slt.u32 s9, $0xF7A;
	s5 =	simm.s32 @!p2 $0x0  }
0x1d: {  	s5 =	simm.s32 @p1 $0x1;
	p0 =	seq.s32 s7, s2  }
0x1e: {  	s7 =	smul.u32 @!p0 $0xF7A, s2;
	p2 =	seq.s32 @!p0 s5, $0x0  }
0x1f: {  	s9 =	smul.u32 $0xF7A, s1;
	s8 =	simm.s32 @!p0 $0x1BF5;
	p2 =	por !p2, p0  }
0x20: {  	[sflag:s8] =	ssyncset.s32 @!p0 $0xFFFFF086;
	s6 =	sadd.s32 @!p0 s3, s7;
	s7 =	simm.s32 @!p0 $0x108  }
0x21: {  	s3 =	sadd.s32 s3, s9;
	s6 =	sadd.s32 @!p0 $0x88, s6;
	s7 =	simm.s32 @p2 $0x1082  }
0x22: {  	[simem:s7], [sflag:s8] =	dma.local @!p0 [hbm:s6], $0xF7A  }
0x23: {  	s9 =	sor.u32 $0xD0000000, s2;
	s6 =	simm.s32 $0x108;
	_ =	swait.ge @!p0 [sflag:s8], $0x0  }
0x24: {  	s3 =	sadd.s32 $0x88, s3;
	s6 =	simm.s32 @!p1 $0x1082;
	[sflag:s4] =	ssyncset.s32 $0xFFFFF086  }
0x25: {  	[simem:s6], [sflag:s4] =	dma.local [hbm:s3], $0xF7A  }
0x26: {  	[smem:$0x3F99] =	sst s1;
	(tag) =	ssettag s2;
	_ =	strace s9  }
0x27: {  	s1 =	sld [smem:$0x3FA9]  }
0x28: {  	s2 =	sld [smem:$0x3FAA]  }
0x29: {  	s4 =	sld [smem:$0x3FAC]  }
0x2a: {  	p0 =	seq.s32 s5, $0x0;
	s5 =	sld [smem:$0x3FAD]  }
0x2b: {  	s6 =	sld [smem:$0x3FAE]  }
0x2c: {  	s7 =	sld [smem:$0x3FAF]  }
0x2d: {  	s3 =	simm.s32 $0x108;
	s8 =	sld [smem:$0x3FB0]  }
0x2e: {  	s3 =	simm.s32 @!p0 $0x1082;
	s9 =	sld [smem:$0x3FB1]  }
0x2f: {  	lr =	sadd.s32 s0, s3;
	s0 =	sld [smem:$0x3FA8]  }
0x30: {  	s3 =	sld [smem:$0x3FAB]  }
0x31: {  	[smem:$0x3FB4] =	sst s10  }
0x32: {  	s10 =	sld [smem:$0x3FB2];
	_ =	sdelay $0x3  }
0x33: {  	p0 =	seq.s32 s10, $0x1;
	s10 =	sld [smem:$0x3FB4];
	_ =	sdelay $0x3  }
0x34: {  	[smem:$0x3FB4] =	sst s10  }
0x35: {  	s10 =	sld [smem:$0x3FB3];
	_ =	sdelay $0x3  }
0x36: {  	p1 =	seq.s32 s10, $0x1;
	s10 =	sld [smem:$0x3FB4];
	_ =	sdelay $0x3  }
0x37: {  	[smem:$0x3FB4] =	sst s10  }
0x38: {  	s10 =	sld [smem:$0x3FB5]  }
0x39: {  	_ = 	snop;
	(pc) =	sbr.ind lr, $3  }
0x3a: {  	_ = 	snop  }
0x3b: {  	_ = 	snop  }
0x3c: {  	p2 =	seq.s32 s10, $0x1;
	s10 =	sld [smem:$0x3FB4]  }
0x3d: {  	_ =	shalt  }
0x3e: {  	_ =	shalt  }
0x3f: {  	_ =	shalt  }
0x40: {  	_ =	shalt  }
0x41: {  	_ =	shalt  }
0x42: {  	_ =	shalt  }
0x43: {  	_ =	shalt  }
0x44: {  	_ =	shalt  }
0x45: {  	_ =	shalt  }
0x46: {  	_ =	shalt  }
0x47: {  	_ =	shalt  }
0x48: {  	_ =	shalt  }
0x49: {  	_ =	shalt  }
0x4a: {  	_ =	shalt  }
0x4b: {  	_ =	shalt  }
0x4c: {  	_ =	shalt  }
0x4d: {  	_ =	shalt  }
0x4e: {  	_ =	shalt  }
0x4f: {  	_ =	shalt  }
0x50: {  	_ =	shalt  }
0x51: {  	_ =	shalt  }
0x52: {  	_ =	shalt  }
0x53: {  	_ =	shalt  }
0x54: {  	_ =	shalt  }
0x55: {  	_ =	shalt  }
0x56: {  	_ =	shalt  }
0x57: {  	_ =	shalt  }
0x58: {  	_ =	shalt  }
0x59: {  	_ =	shalt  }
0x5a: {  	_ =	shalt  }
0x5b: {  	_ =	shalt  }
0x5c: {  	_ =	shalt  }
0x5d: {  	_ =	shalt  }
0x5e: {  	_ =	shalt  }
0x5f: {  	_ =	shalt  }
0x60: {  	_ =	shalt  }
0x61: {  	_ =	shalt  }
0x62: {  	_ =	shalt  }
0x63: {  	_ =	shalt  }
0x64: {  	_ =	shalt  }
0x65: {  	_ =	shalt  }
0x66: {  	_ =	shalt  }
0x67: {  	_ =	shalt  }
0x68: {  	_ =	shalt  }
0x69: {  	_ =	shalt  }
0x6a: {  	_ =	shalt  }
0x6b: {  	_ =	shalt  }
0x6c: {  	_ =	shalt  }
0x6d: {  	_ =	shalt  }
0x6e: {  	_ =	shalt  }
0x6f: {  	_ =	shalt  }
0x70: {  	_ =	shalt  }
0x71: {  	_ =	shalt  }
0x72: {  	_ =	shalt  }
0x73: {  	_ =	shalt  }
0x74: {  	_ =	shalt  }
0x75: {  	_ =	shalt  }
0x76: {  	_ =	shalt  }
0x77: {  	_ =	shalt  }
0x78: {  	_ =	shalt  }
0x79: {  	_ =	shalt  }
0x7a: {  	_ =	shalt  }
0x7b: {  	_ =	shalt  }
0x7c: {  	_ =	shalt  }
0x7d: {  	_ =	shalt  }
0x7e: {  	_ =	shalt  }
0x7f: {  	_ =	shalt  }
0x80: {  	_ =	shalt  }
0x81: {  	_ =	shalt  }
0x82: {  	_ =	shalt  }
0x83: {  	_ =	shalt  }
0x84: {  	_ =	shalt  }
0x85: {  	_ =	shalt  }
0x86: {  	_ =	shalt  }
0x87: {  	_ =	shalt  }
.Lfunc_end0:
.L_simem_size_0:
called_computation_lowered:
.L_overlay_start_0:
0x88: {  	s2 =	sld [smem:$0x3FD9]  }
0x89: {  	s3 =	sld [smem:$0x3FFE];
	_ =	sdelay $0x1  }
0x8a: {  	s1 =	srdreg.scid  }
0x8b: {  	s0 =	sand.u32 $0x1, s1  }
0x8c: {  	s17 =	sshll.u32 s0, $0xA;
	s2 =	sadd.s32 s3, s2  }
0x8d: {  	s2 =	sadd.s32 s2, s17  }
0x8e: {  	[smem:$0x3FC0] =	sst s2  }
0x8f: {  	_ = 	snop  }
0x90: {  	s2 =	sld [smem:$0x3FD0];
	(tm) =	ssettm $0x1  }
0x91: {  	s18 =	sld [smem:$0x3FFB];
	_ =	sdelay $0x3  }
0x92: {  	_ =	strace s18  }
0x93: {  	s3 =	sld [smem:$0x3FFC];
	_ =	sdelay $0x3  }
0x94: {  	_ =	strace s3  }
0x95: {  	s3 =	sld [smem:$0x3FFD];
	_ =	sdelay $0x3  }
0x96: {  	_ =	strace s3  }
0x97: {  	_ =	strace $0x8FFFFFFF  }
0x98: {  	s19 =	sld [smem:$0x3FDB];
	_ =	sdelay $0x1  }
0x99: {  	s4 =	simm.s32 $_scs_section_size  }
0x9a: {  	s5 =	simm.s32 $_size__tile_overlayer_lowered;
	s6 =	simm.s32 $_tile_overlayer_lowered  }
0x9b: {  	s22 =	simm.s32 $0x1BFF;
	s21 =	sshll.u32 s6, $0x1;
	s3 =	sadd.s32 s4, s19  }
0x9c: {  	s7 =	simm.s32 $0x0;
	s20 =	sshll.u32 s5, $0x1;
	s5 =	sadd.s32 s21, s3  }
0x9d: {  	[timem:s7], [sflag:s22] =	dma.local [hbm:s5], s20  }
0x9e: {  	_ =	swait.ge [sflag:s22], s20  }
0x9f: {  	s4 =	ssub.s32 $0x0, s20;
	[sflag:s22] =	ssyncset.done $0x0  }
0xa0: {  	[sflag:s22] =	ssyncadd.s32 s4;
	_ =	sdelay $0x1  }
0xa1: {  	s23 =	simm.s32 $0x1B8B  }
0xa2: {  	_ =	swait.ge [sflag:s23], $0x1  }
0xa3: {  	[sflag:s23] =	ssyncset.done $0x0  }
0xa4: {  	s25 =	simm.s32 $0x1B8E;
	s24 =	sld [smem:$0x3FFE];
	[sflag:s23] =	ssyncadd.s32 $0xFFFFFFFF  }
0xa5: {  	s26 =	simm.s32 $execute0_lowered;
	[smem:$0x3FD2] =	sst s25  }
0xa6: {  	s5 =	sshll.u32 s26, $0x1;
	_ =	strace $0x80000046;
	[dreg:$0x1] =	wrdreg $0xFFFFFFFF  }
0xa7: {  	s28 =	simm.s32 $_size_execute0_lowered;
	s3 =	sadd.s32 s3, s5;
	[dreg:$0x0] =	wrdreg $0x0  }
0xa8: {  	s5 =	sshll.u32 s28, $0x1;
	[dreg:$0x2] =	wrdreg s3  }
0xa9: {  	[dreg:$0x3] =	wrdreg s5  }
0xaa: {  	[dreg:$0x4] =	wrdreg $0xC0  }
0xab: {  	_ =	task [dreg:s7], $0x5FFFF  }
0xac: {  	[dreg:$0x1] =	wrdreg $0xFFFFFFFF  }
0xad: {  	[dreg:$0x0] =	wrdreg $0x60  }
0xae: {  	[dreg:$0x2] =	wrdreg s24  }
0xaf: {  	[dreg:$0x3] =	wrdreg s2  }
0xb0: {  	[dreg:$0x4] =	wrdreg $0x69800  }
0xb1: {  	[dreg:$0x5] =	wrdreg $0x9  }
0xb2: {  	_ =	task.clear_ibuf [dreg:s7], $0x6FFFF;
	_ =	strace $0x90000046  }
0xb3: {  	s29 =	simm.s32 $0x9;
	_ =	strace $0x80000048  }
0xb4: {  	_ =	swait.ge [sflag:s29], $0x1  }
0xb5: {  	[sflag:s29] =	ssyncadd.s32 $0xFFFFFFFF  }
0xb6: {  	_ =	strace $0x90000048  }
0xb7: {  	_ =	sfence  }
0xb8: {  	s30 =	sld [smem:$0x0];
	_ =	sdelay $0x2  }
0xb9: {  	s31 =	sshll.u32 s1, $0xD;
	s1 =	sshrl.u32 s1, $0x2  }
0xba: {  	s3 =	sand.u32 $0x4000, s31;
	s1 =	sadd.s32 s1, s30  }
0xbb: {  	s0 =	sor.u32 s3, s0;
	s1 =	sshll.u32 s1, $0x11  }
0xbc: {  	s0 =	sor.u32 s1, s0  }
0xbd: {  	s0 =	sadd.s32 $0x8F2B, s0  }
0xbe: {  	[sflag:s0] =	ssyncadd.remote.s32 $0x1  }
0xbf: {  	_ =	sfence.sel $0xFFFF  }
0xc0: {  	[dreg:$0x0] =	wrdreg $0xFFFFFFFF;
	(pc) =	sbr.abs _section_cstart, $3  }
0xc1: {  	[dreg:$0x1] =	wrdreg $0xFFFFFFFF  }
0xc2: {  	_ =	task.clear_ibuf [dreg:s7], $0x2FFFF;
	_ =	strace $0x9FFFFFFF  }
0xc3: {  	(tm) =	ssettm $0x7FFFFFFF  }
tec
execute0_lowered:
.L_overlay_start_1:
0x0: {  	(tag) =	ssettag $0x1  }
0x1: {  	s8 =	rddreg [dreg:$0x0]  }
0x2: {  	s1 =	rddreg [dreg:$0x1]  }
0x3: {  	s2 =	rddreg [dreg:$0x2]  }
0x4: {  	s0 =	rddreg [dreg:$0x3];
	s3 =	simm.s32 $0x0  }
0x5: {  	s4 =	srdreg.scid;
	s20 =	simm.s32 $0x80;
	s21 =	simm.s32 $0x180  }
0x6: {  	s22 =	simm.s32 $0x1;
	s23 =	simm.s32 $0x100;
	s24 =	simm.s32 $0x400  }
0x7: {  	[smem:$0x7FF] =	sst s3;
	s9 =	sand.u32 $0x1, s4;
	s4 =	stileid.u32  }
0x8: {  	s5 =	sadd.s32 $0x1400, s8;
	s6 =	sadd.s32 $0x139C00, s8;
	s7 =	smul.u32 $0x140000, s9  }
0x9: {  	_ =	strace $0x80000047;
	s10 =	smul.u32 $0x14000, s4;
	s11 =	sshll.u32 s4, $0x1  }
0xa: {  	s12 =	sshrl.u32 s4, $0x2;
	s14 =	smul.u32 $0x50000, s4;
	s31 =	sshll.u32 s4, $0x6  }
0xb: {  	s11 =	sor.u32 s9, s11;
	s25 =	smul.u32 $0x14000, s12;
	s9 =	ssub.s32 $0x2, s9  }
0xc: {  	s7 =	sadd.s32 s10, s7;
	s26 =	sshll.u32 s11, $0x7;
	s28 =	sshrl.u32 s14, $0x2  }
0xd: {  	s29 =	sshrl.u32 s9, $0x1;
	s14 =	sor.u32 $0x1C02, s31;
	s13 =	sshrl.u32 s7, $0x3  }
0xe: {  	s12 =	sand.u32 $0x380, s26;
	s7 =	sadd.s32 $0x13A400, s8;
	s15 =	sadd.s32 s28, s2  }
0xf: {  	s30 =	ssub.s32 s9, s29;
	s13 =	sadd.s32 s13, s8;
	s10 =	sor.u32 s25, s12  }
0x10: {  	s16 =	sadd.s32 $0x4000, s15;
	s17 =	sadd.s32 $0x8000, s15;
	s18 =	sadd.s32 $0xC000, s15  }
0x11: {  	s19 =	sadd.s32 $0x10000, s15;
	s12 =	simm.s32 $0x4180;
	s15 =	sshrl.u32 s15, $0x3  }
0x12: {  	s25 =	simm.s32 $0x0;
	s10 =	sshrl.u32 s10, $0x3;
	s9 =	sadd.s32 $0x144A00, s13  }
0x13: {  	s13 =	simm.s32 $0x2;
	s16 =	sshrl.u32 s16, $0x3;
	s17 =	sshrl.u32 s17, $0x3  }
0x14: {  	s18 =	sshrl.u32 s18, $0x3;
	s19 =	sshrl.u32 s19, $0x3;
	s10 =	sadd.s32 s10, s8  }
0x15: {  	v0 =	vimm.f32 $1.000000000e+00;
	s8 =	smul.u32 $0x2800, s11;
	s11 =	smax.u32 s30, $0x1;
	s10 =	sadd.s32 $0x13AA00, s10  }
.LBB2_1:
0x16: {  	[tilespmem:s12], [sflag:$0x2] =	stream.linear.gather [hbm4b:s7+s3], $0x2800, $0x38;
	[tilespmem:$0x1A980] =	vst v63  }
0x17: {  	_ =	swait.ge [sflag:s13], $0x2800  }
0x18: {  	[sflag:s13] =	ssyncset.done $0x0  }
0x19: {  	[sflag:s13] =	ssyncadd.s32 $0xFFFFD800  }
0x1a: {  	[spmem:s15], [sflag:s14] =	dma.local [hbm:s6], $0x800  }
0x1b: {  	_ =	swait.ge [sflag:s13], $0x800  }
0x1c: {  	[sflag:s13] =	ssyncset.done $0x0  }
0x1d: {  	[sflag:s13] =	ssyncadd.s32 $0xFFFFF800  }
0x1e: {  	[spmem:s16], [sflag:s14] =	dma.local [hbm:s6], $0x800  }
0x1f: {  	_ =	swait.ge [sflag:s13], $0x800  }
0x20: {  	[sflag:s13] =	ssyncset.done $0x0  }
0x21: {  	[sflag:s13] =	ssyncadd.s32 $0xFFFFF800  }
0x22: {  	[spmem:s17], [sflag:s14] =	dma.local [hbm:s6], $0x800  }
0x23: {  	_ =	swait.ge [sflag:s13], $0x800  }
0x24: {  	[sflag:s13] =	ssyncset.done $0x0  }
0x25: {  	[sflag:s13] =	ssyncadd.s32 $0xFFFFF800  }
0x26: {  	[spmem:s18], [sflag:s14] =	dma.local [hbm:s6], $0x800  }
0x27: {  	_ =	swait.ge [sflag:s13], $0x800  }
0x28: {  	[sflag:s13] =	ssyncset.done $0x0  }
0x29: {  	[sflag:s13] =	ssyncadd.s32 $0xFFFFF800  }
0x2a: {  	[spmem:s19], [sflag:s14] =	dma.local [hbm:s6], $0x800  }
0x2b: {  	_ =	swait.ge [sflag:s13], $0x800  }
0x2c: {  	[sflag:s13] =	ssyncset.done $0x0  }
0x2d: {  	[sflag:s13] =	ssyncadd.s32 $0xFFFFF800  }
0x2e: {  	s26 =	simm.s32 $0x0;
	[bflag:$0x0] =	sbarrier.arrive $0xFFFF  }
.LBB2_2:
0x2f: {  	s28 =	sand.u32 $0x3C00, s26  }
0x30: {  	s29 =	sand.u32 $0x380, s26;
	s28 =	sadd.s32 s8, s28  }
0x31: {  	s28 =	sor.u32 s29, s28  }
0x32: {  	s28 =	sshrl.u32 s28, $0x3  }
0x33: {  	s28 =	sadd.s32 s1, s28  }
0x34: {  	[tilespmem:s3], [sflag:$0x2] =	stream.linear.gather [hbm4b:s28+s3], $0x80, $0x38;
	[tilespmem:$0x1A980] =	vst v63  }
0x35: {  	_ =	swait.ge [sflag:s13], $0x80  }
0x36: {  	[sflag:s13] =	ssyncset.done $0x0  }
0x37: {  	[sflag:s13] =	ssyncadd.s32 $0xFFFFFF80  }
0x38: {  	v1 =	vld [tilespmem:$0x0];
	_ =	sdelay $0x4  }
0x39: {  	v2 =	vand.u32 $0x3FFF, v1;
	_ =	sdelay $0x1  }
0x3a: {  	v1 =	vshrl.u32 v1, $0xE  }
0x3b: {  	[tilespmem:$0x80] =	vst v1  }
0x3c: {  	[tilespmem:$0x100] =	vst v2  }
0x3d: {  	[tilespmem:v2+s12+$0x0] =	vst.idx.add.f32.msk $0xffff, v0  }
0x3e: {  	v1 =	vld [tilespmem:$0x10];
	_ =	sdelay $0x4  }
0x3f: {  	v2 =	vand.u32 $0x3FFF, v1;
	_ =	sdelay $0x1  }
0x40: {  	v1 =	vshrl.u32 v1, $0xE  }
0x41: {  	[tilespmem:$0x90] =	vst v1  }
0x42: {  	[tilespmem:$0x110] =	vst v2  }
0x43: {  	[tilespmem:v2+s12+$0x0] =	vst.idx.add.f32.msk $0xffff, v0  }
0x44: {  	v1 =	vld [tilespmem:$0x20];
	_ =	sdelay $0x4  }
0x45: {  	v2 =	vand.u32 $0x3FFF, v1;
	_ =	sdelay $0x1  }
0x46: {  	v1 =	vshrl.u32 v1, $0xE  }
0x47: {  	[tilespmem:$0xA0] =	vst v1  }
0x48: {  	[tilespmem:$0x120] =	vst v2  }
0x49: {  	[tilespmem:v2+s12+$0x0] =	vst.idx.add.f32.msk $0xffff, v0  }
0x4a: {  	v1 =	vld [tilespmem:$0x30];
	_ =	sdelay $0x4  }
0x4b: {  	v2 =	vand.u32 $0x3FFF, v1;
	_ =	sdelay $0x1  }
0x4c: {  	v1 =	vshrl.u32 v1, $0xE  }
0x4d: {  	[tilespmem:$0xB0] =	vst v1  }
0x4e: {  	[tilespmem:$0x130] =	vst v2  }
0x4f: {  	[tilespmem:v2+s12+$0x0] =	vst.idx.add.f32.msk $0xffff, v0  }
0x50: {  	v1 =	vld [tilespmem:$0x40];
	_ =	sdelay $0x4  }
0x51: {  	v2 =	vand.u32 $0x3FFF, v1;
	_ =	sdelay $0x1  }
0x52: {  	v1 =	vshrl.u32 v1, $0xE  }
0x53: {  	[tilespmem:$0xC0] =	vst v1  }
0x54: {  	[tilespmem:$0x140] =	vst v2  }
0x55: {  	[tilespmem:v2+s12+$0x0] =	vst.idx.add.f32.msk $0xffff, v0  }
0x56: {  	v1 =	vld [tilespmem:$0x50];
	_ =	sdelay $0x4  }
0x57: {  	v2 =	vand.u32 $0x3FFF, v1;
	_ =	sdelay $0x1  }
0x58: {  	v1 =	vshrl.u32 v1, $0xE  }
0x59: {  	[tilespmem:$0xD0] =	vst v1  }
0x5a: {  	[tilespmem:$0x150] =	vst v2  }
0x5b: {  	[tilespmem:v2+s12+$0x0] =	vst.idx.add.f32.msk $0xffff, v0  }
0x5c: {  	v1 =	vld [tilespmem:$0x60];
	_ =	sdelay $0x4  }
0x5d: {  	v2 =	vand.u32 $0x3FFF, v1;
	_ =	sdelay $0x1  }
0x5e: {  	v1 =	vshrl.u32 v1, $0xE  }
0x5f: {  	[tilespmem:$0xE0] =	vst v1  }
0x60: {  	[tilespmem:$0x160] =	vst v2  }
0x61: {  	[tilespmem:v2+s12+$0x0] =	vst.idx.add.f32.msk $0xffff, v0  }
0x62: {  	v1 =	vld [tilespmem:$0x70];
	_ =	sdelay $0x4  }
0x63: {  	v2 =	vand.u32 $0x3FFF, v1;
	_ =	sdelay $0x1  }
0x64: {  	v1 =	vshrl.u32 v1, $0xE  }
0x65: {  	[tilespmem:$0xF0] =	vst v1  }
0x66: {  	[tilespmem:$0x170] =	vst v2  }
0x67: {  	[tilespmem:v2+s12+$0x0] =	vst.idx.add.f32.msk $0xffff, v0  }
0x68: {  	[tilespmem:s21], [sflag:$0x1] =	stream.indirect.gather [hbm4b:s5+s20], $0x80, s20, s20, $0xb8;
	[tilespmem:$0x1A980] =	vst v63  }
0x69: {  	_ =	swait.ge [sflag:s22], $0x4000  }
0x6a: {  	p0 =	sne.s32 s26, $0x2700;
	[sflag:s22] =	ssyncset.done $0x0  }
.Ltmp0:
0x6b: {  	[sflag:s22] =	ssyncadd.s32 $0xFFFFC000;
	(pc) =	sbr.rel @p0 .LBB2_2-.Ltmp0, $4  }
0x6c: {  	[spmem:s2] =	stream.indirect.scatter.add.f32 [tilespmem:s21], [sflag:$0x2], $0x80, s23, s20, $0xb8;
	[tilespmem:$0x1A980] =	vst v63  }
0x6d: {  	_ =	swait.ge [sflag:s13], $0x4000  }
0x6e: {  	[sflag:s13] =	ssyncset.done $0x0  }
0x6f: {  	s26 =	sadd.s32 $0x80, s26;
	[sflag:s13] =	ssyncadd.s32 $0xFFFFC000  }
0x70: {  	[bflag:$0x0] =	sbarrier.arrive $0xFFFF  }
0x71: {  	[hbm:s9], [sflag:s14] =	dma.local [spmem:s15], $0x2800  }
0x72: {  	s25 =	sadd.s32 $0x1, s25;
	_ =	swait.ge [sflag:s13], $0x2800  }
0x73: {  	p0 =	sne.s32 s25, s11;
	[sflag:s13] =	ssyncset.done $0x0  }
.Ltmp1:
0x74: {  	[sflag:s13] =	ssyncadd.s32 $0xFFFFD800;
	(pc) =	sbr.rel @p0 .LBB2_1-.Ltmp1, $4  }
0x75: {  	[hbm4b:s10+s20] =	stream.strided.scatter [tilespmem:s12], [sflag:$0x2], $0x2800, s24, s20, $0x38;
	[tilespmem:$0x1A980] =	vst v63  }
0x76: {  	_ =	swait.ge [sflag:s13], $0x2800  }
0x77: {  	[sflag:s13] =	ssyncset.done $0x0  }
0x78: {  	[sflag:s13] =	ssyncadd.s32 $0xFFFFD800  }
0x79: {  	_ =	sfence.sel $0x180000  }
0x7a: {  	[bflag:$0x0] =	sbarrier.arrive $0xFFFF  }
0x7b: {  	p0 =	sne.s32 s4, $0x0;
	_ =	strace $0x90000047  }
0x7c: {  	s0 =	sadd.s32 @!p0 $0x100000, s0;
	[bflag:$0x2] =	sbarrier.arrive $0xFFFF  }
0x7d: {  	[sflag:s0] =	ssyncadd.tile.s32 @!p0 $0x1;
	_ =	shalt  }
.Lfunc_end2:
_tile_overlayer_lowered:
.L_overlay_start_2:
0x7e: {  	(tag) =	ssettag $0x2  }
0x7f: {  	s0 =	rddreg [dreg:$0x0];
	s2 =	stileid.u32  }
0x80: {  	s1 =	rddreg [dreg:$0x1];
	p0 =	sne.s32 s2, $0x0  }
0x81: {  	s3 =	rddreg [dreg:$0x2];
	[bflag:$0x3] =	sbarrier.arrive $0xFFFF;
	s2 =	simm.s32 @!p0 $0x1C02  }
0x82: {  	[timem:s3], [sflag:s2] =	dma.local @!p0 [hbm:s0], s1  }
0x83: {  	s0 =	simm.s32 @!p0 $0x2  }
0x84: {  	_ =	swait.ge @!p0 [sflag:s0], s1  }
0x85: {  	s1 =	ssub.s32 @!p0 $0x0, s1;
	[sflag:s0] =	ssyncset.done @!p0 $0x0  }
0x86: {  	[sflag:s0] =	ssyncadd.s32 @!p0 s1  }
0x87: {  	[bflag:$0x3] =	sbarrier.arrive $0xFFFF  }
0x88: {  	_ =	shalt  }

</sc_bundles>
